<compile_context>
chip_gen: v7x
topology: tpu7x:2x2x1
jax: 0.10.2.dev20260603
libtpu: 0.0.44.dev20260713+nightly
codegen_flags: <defaults>
</compile_context>

<pallas_src>
import functools
import jax
import jax.numpy as jnp
from jax import lax
from jax.experimental import pallas as pl
from jax.experimental.pallas import tpu as pltpu
from jax.experimental.pallas import tpu_sc as plsc

B = 4
N = 2
H = W = 384
P = H * W
TOT = B * N * P
NUM_BINS = 16
KR = 2
EPS = 1e-8

NC, NS, L = 2, 16, 16
NW = NC * NS
PSC = 3 * P // 8
SPB = PSC // (NW // B)
UNROLL = 2
ROWS = P // 128
RSC = PSC // 128


def _bsp(d):
    ad = jnp.abs(d)
    c1 = (0.5 * ad - 1.0) * (ad * ad) + (2.0 / 3.0)
    t = jnp.maximum(2.0 - ad, 0.0)
    c2 = t * t * t * (1.0 / 6.0)
    return jnp.where(ad < 1.0, c1, c2)


def _pixel(a0, a1):
    mn = jnp.minimum(a0, a1)
    bw = (jnp.maximum(a0, a1) - mn) * (1.0 / NUM_BINS)
    pmin = mn - KR * bw
    inv = 1.0 / jnp.maximum(bw, EPS)
    p0 = (a0 - pmin) * inv
    p1 = (a1 - pmin) * inv
    g0 = p0.astype(jnp.int32).astype(jnp.float32)
    g1 = p1.astype(jnp.int32).astype(jnp.float32)
    f0 = p0 - g0
    f1 = p1 - g1
    zero = jnp.zeros_like(a0)
    w0 = (0.5 * f0 - 1.0) * (f0 * f0) + (2.0 / 3.0)
    w1 = (0.5 * f1 - 1.0) * (f1 * f1) + (2.0 / 3.0)
    n0 = jnp.where(g0 >= 1.0, w0 + _bsp(p1 - g0), zero)
    n1 = jnp.where(g1 >= 1.0, w1 + _bsp(p0 - g1), zero)
    v0 = jnp.maximum(2.0 - p0, 0.0)
    v1 = jnp.maximum(2.0 - p1, 0.0)
    q0 = jnp.maximum(1.0 - p0, 0.0)
    q1 = jnp.maximum(1.0 - p1, 0.0)
    cv = v0 * v0 * v0 + v1 * v1 * v1
    cq = q0 * q0 * q0 + q1 * q1 * q1
    hsum = jnp.maximum(2.0 - cv * (1.0 / 6.0) + cq * 0.5, EPS)
    rec = 1.0 / hsum
    return n0 * rec, n1 * rec


@functools.lru_cache(maxsize=1)
def _build():
    mesh = plsc.VectorSubcoreMesh(core_axis_name="c", subcore_axis_name="s")

    @functools.partial(
        pl.kernel,
        mesh=mesh,
        out_type=jax.ShapeDtypeStruct((B * N * PSC,), jnp.float32),
        scratch_types=[
            pltpu.VMEM((SPB,), jnp.float32),
            pltpu.VMEM((SPB,), jnp.float32),
            pltpu.VMEM((SPB,), jnp.float32),
            pltpu.VMEM((SPB,), jnp.float32),
            pltpu.SemaphoreType.DMA,
            pltpu.SemaphoreType.DMA,
            pltpu.SemaphoreType.DMA,
        ],
    )
    def _sc_kernel(img_hbm, out_hbm, v0, v1, o0, o1, sem_a, sem_b, sem_out):
        wid = lax.axis_index("c") * NS + lax.axis_index("s")
        b = wid // (NW // B)
        s = wid % (NW // B)
        off0 = b * (N * P) + s * SPB
        off1 = off0 + P
        oo0 = b * (N * PSC) + s * SPB
        oo1 = oo0 + PSC
        HALF = SPB // 2
        ha0 = pltpu.async_copy(img_hbm.at[pl.ds(off0, HALF)],
                               v0.at[pl.ds(0, HALF)], sem_a)
        ha1 = pltpu.async_copy(img_hbm.at[pl.ds(off1, HALF)],
                               v1.at[pl.ds(0, HALF)], sem_a)
        hb0 = pltpu.async_copy(img_hbm.at[pl.ds(off0 + HALF, HALF)],
                               v0.at[pl.ds(HALF, HALF)], sem_b)
        hb1 = pltpu.async_copy(img_hbm.at[pl.ds(off1 + HALF, HALF)],
                               v1.at[pl.ds(HALF, HALF)], sem_b)

        def _body(i, carry):
            for u in range(UNROLL):
                sl = pl.ds((i * UNROLL + u) * L, L)
                r0, r1 = _pixel(v0[sl], v1[sl])
                o0[sl] = r0
                o1[sl] = r1
            return carry

        NIT = SPB // L // UNROLL
        ha0.wait()
        ha1.wait()
        lax.fori_loop(0, NIT // 2, _body, 0)
        ho0 = pltpu.async_copy(o0.at[pl.ds(0, HALF)],
                               out_hbm.at[pl.ds(oo0, HALF)], sem_out)
        ho1 = pltpu.async_copy(o1.at[pl.ds(0, HALF)],
                               out_hbm.at[pl.ds(oo1, HALF)], sem_out)
        hb0.wait()
        hb1.wait()
        lax.fori_loop(NIT // 2, NIT, _body, 0)
        ho2 = pltpu.async_copy(o0.at[pl.ds(HALF, HALF)],
                               out_hbm.at[pl.ds(oo0 + HALF, HALF)], sem_out)
        ho3 = pltpu.async_copy(o1.at[pl.ds(HALF, HALF)],
                               out_hbm.at[pl.ds(oo1 + HALF, HALF)], sem_out)
        ho0.wait()
        ho1.wait()
        ho2.wait()
        ho3.wait()

    return _sc_kernel


def _tc_body(x_ref, o_ref):
    r0, r1 = _pixel(x_ref[0, 0], x_ref[0, 1])
    o_ref[0, 0] = r0
    o_ref[0, 1] = r1


def _tc_half(x4_tail):
    return pl.pallas_call(
        _tc_body,
        grid=(B,),
        in_specs=[pl.BlockSpec((1, N, ROWS - RSC, 128),
                               lambda i: (i, 0, 0, 0))],
        out_specs=pl.BlockSpec((1, N, ROWS - RSC, 128),
                               lambda i: (i, 0, 0, 0)),
        out_shape=jax.ShapeDtypeStruct((B, N, ROWS - RSC, 128), jnp.float32),
    )(x4_tail)


def kernel(images):
    flat = images.reshape(TOT)
    sc_out = _build()(flat)
    tc_out = _tc_half(images.reshape(B, N, ROWS, 128)[:, :, RSC:, :])
    sc4 = sc_out.reshape(B, N, RSC, 128)
    return jnp.concatenate([sc4, tc_out], axis=2).reshape(B, N, H, W)

# --- scband reference (transcript-rebuilt; emitter-appended) ---
"""Pipeline reference for scband-cg-11682311045589 (READ-ONLY COPY).

The authoritative reference and input builder live on the scoring server;
editing this copy changes nothing except your own understanding.
"""

import jax, jax.numpy as jnp
import numpy as np
import math

DIM = 2
WIN = 1
NUM_BINS = 16
SIGMA = 1
KR = math.ceil(2 * SIGMA)
EPS = 1e-08
MULT = 1
BK = float('-inf')


def _bspline(d):
    d = d / SIGMA
    ad = jnp.abs(d)
    return jnp.where(ad < 1.0, (3.0 * ad ** 3 - 6.0 * ad ** 2 + 4.0) / 6.0,
                     jnp.where(ad < 2.0, (2.0 - ad) ** 3 / 6.0, jnp.zeros_like(d)))


def setup_inputs(seed: int = 0) -> dict:
    key = jax.random.key(seed)
    images = jax.random.uniform(key, (4, 2, 1, 384, 384), dtype=jnp.float32)
    return {"images": images}


def reference(images):
    B, N = images.shape[0], images.shape[1]
    vol_shape = images.shape[3:]
    img = images[:, :, 0]
    mask = jnp.ones_like(img)
    image_mask = mask.astype(bool) & (img > BK)
    cylinder = images.reshape(B, N, -1)
    max_v = jax.lax.stop_gradient(jnp.max(cylinder, axis=1, keepdims=True))
    min_v = jax.lax.stop_gradient(jnp.min(cylinder, axis=1, keepdims=True))
    bin_width = (max_v - min_v) / NUM_BINS
    pad_min_v = min_v - bin_width * KR
    bin_center = jnp.arange(NUM_BINS + 2 * KR, dtype=images.dtype)
    bin_pos = (cylinder - pad_min_v) / jnp.clip(bin_width, EPS, None)
    bin_idx = jnp.clip(jnp.floor(jax.lax.stop_gradient(bin_pos)), KR, KR + NUM_BINS - 1)
    min_win_idx = (bin_idx - (KR - 1)).astype(jnp.int32)
    win_idx = jnp.stack([min_win_idx + r for r in range(KR * 2)])
    win_bin_center = bin_center[win_idx]
    win_weight = _bspline(bin_pos[None] - win_bin_center)
    bin_weight = jnp.stack([jnp.sum((win_idx == i).astype(win_weight.dtype) * win_weight, axis=0)
                            for i in range(NUM_BINS + KR * 2)])
    hist = bin_weight.sum(axis=2)
    density = hist / jnp.clip(hist.sum(axis=0, keepdims=True), EPS, None)
    image_idx = jnp.floor((img - pad_min_v.reshape(B, 1, *vol_shape)) /
                          jnp.clip(bin_width, EPS, None).reshape(B, 1, *vol_shape))
    image_idx = jnp.clip(image_idx, 0, KR * 2 + NUM_BINS - 1).astype(jnp.int32)
    density_t = jnp.swapaxes(density, 0, 1).reshape(B, -1, *vol_shape)
    output = jnp.take_along_axis(density_t, image_idx, axis=1)
    return output * image_mask.astype(output.dtype) * MULT

if __name__ == "__main__":
    import jax
    _d = setup_inputs()
    print(jax.jit(kernel)(*tuple(_d.values())))

</pallas_src>

<mosaic_0001>
#map = affine_map<(d0, d1) -> (0)>
module attributes {stable_mosaic.version = 14 : i64} {
  func.func @_sc_kernel(%arg0: i32, %arg1: i32, %arg2: memref<1179648xf32, #tpu.memory_space<hbm>>, %arg3: memref<442368xf32, #tpu.memory_space<hbm>>, %arg4: memref<6912xf32, #tpu.memory_space<vmem>>, %arg5: memref<6912xf32, #tpu.memory_space<vmem>>, %arg6: memref<6912xf32, #tpu.memory_space<vmem>>, %arg7: memref<6912xf32, #tpu.memory_space<vmem>>, %arg8: memref<!tpu.dma_semaphore, #tpu.memory_space<semaphore_mem>>, %arg9: memref<!tpu.dma_semaphore, #tpu.memory_space<semaphore_mem>>, %arg10: memref<!tpu.dma_semaphore, #tpu.memory_space<semaphore_mem>>) attributes {dimension_semantics = [#tpu.dimension_semantics<core_parallel>, #tpu.dimension_semantics<subcore_parallel>], iteration_bounds = array<i64: 2, 16>, scalar_prefetch = 0 : i64, scratch_operands = 7 : i64, tpu.core_type = #tpu.core_type<sc_vector_subcore>, window_params = [{transform_indices = #map}, {transform_indices = #map}]} {
    %mul3A = arith.constant 16 : i32
    %mul3A_0 = arith.muli %arg0, %mul3A : i32
    %add3A = arith.addi %mul3A_0, %arg1 : i32
    %jit3A = arith.constant 8 : i32
    %div3A = arith.divsi %add3A, %jit3A : i32
    %sign3A = arith.constant 0 : i32
    %sign3A_1 = arith.cmpi sgt, %add3A, %sign3A : i32
    %sign3A_2 = arith.extui %sign3A_1 : i1 to i32
    %sign3A_3 = arith.constant 0 : i32
    %sign3A_4 = arith.cmpi slt, %add3A, %sign3A_3 : i32
    %sign3A_5 = arith.extui %sign3A_4 : i1 to i32
    %sign3A_6 = arith.subi %sign3A_2, %sign3A_5 : i32
    %sign3A_7 = arith.constant 0 : i32
    %sign3A_8 = arith.cmpi sgt, %jit3A, %sign3A_7 : i32
    %sign3A_9 = arith.extui %sign3A_8 : i1 to i32
    %sign3A_10 = arith.constant 0 : i32
    %sign3A_11 = arith.cmpi slt, %jit3A, %sign3A_10 : i32
    %sign3A_12 = arith.extui %sign3A_11 : i1 to i32
    %sign3A_13 = arith.subi %sign3A_9, %sign3A_12 : i32
    %ne3A = arith.cmpi ne, %sign3A_6, %sign3A_13 : i32
    %rem3A = arith.remsi %add3A, %jit3A : i32
    %ne3A_14 = arith.constant 0 : i32
    %ne3A_15 = arith.cmpi ne, %rem3A, %ne3A_14 : i32
    %and3A = arith.andi %ne3A, %ne3A_15 : i1
    %sub3A = arith.constant 1 : i32
    %sub3A_16 = arith.subi %div3A, %sub3A : i32
    %select_n3A = arith.select %and3A, %sub3A_16, %div3A : i32
    %jit3A_17 = arith.constant 8 : i32
    %eq3A = arith.constant 0 : i32
    %eq3A_18 = arith.cmpi eq, %jit3A_17, %eq3A : i32
    %jit3A_19 = arith.constant 1 : i32
    %select_n3A_20 = arith.select %eq3A_18, %jit3A_19, %jit3A_17 : i32
    %rem3A_21 = arith.remsi %add3A, %select_n3A_20 : i32
    %ne3A_22 = arith.constant 0 : i32
    %ne3A_23 = arith.cmpi ne, %rem3A_21, %ne3A_22 : i32
    %lt3A = arith.constant 0 : i32
    %lt3A_24 = arith.cmpi slt, %rem3A_21, %lt3A : i32
    %lt3A_25 = arith.constant 0 : i32
    %lt3A_26 = arith.cmpi slt, %select_n3A_20, %lt3A_25 : i32
    %ne3A_27 = arith.xori %lt3A_24, %lt3A_26 : i1
    %and3A_28 = arith.andi %ne3A_27, %ne3A_23 : i1
    %add3A_29 = arith.addi %rem3A_21, %select_n3A_20 : i32
    %select_n3A_30 = arith.select %and3A_28, %add3A_29, %rem3A_21 : i32
    %mul3A_31 = arith.constant 294912 : i32
    %mul3A_32 = arith.muli %select_n3A, %mul3A_31 : i32
    %mul3A_33 = arith.constant 6912 : i32
    %mul3A_34 = arith.muli %select_n3A_30, %mul3A_33 : i32
    %add3A_35 = arith.addi %mul3A_32, %mul3A_34 : i32
    %add3A_36 = arith.constant 147456 : i32
    %add3A_37 = arith.addi %add3A_35, %add3A_36 : i32
    %mul3A_38 = arith.constant 110592 : i32
    %mul3A_39 = arith.muli %select_n3A, %mul3A_38 : i32
    %mul3A_40 = arith.constant 6912 : i32
    %mul3A_41 = arith.muli %select_n3A_30, %mul3A_40 : i32
    %add3A_42 = arith.addi %mul3A_39, %mul3A_41 : i32
    %add3A_43 = arith.constant 55296 : i32
    %add3A_44 = arith.addi %add3A_42, %add3A_43 : i32
    %dma_start3A = arith.constant 0 : i32
    %dma_start3A_45 = tpu.memref_slice %arg4[%dma_start3A] : memref<6912xf32, #tpu.memory_space<vmem>> -> memref<3456xf32, #tpu.memory_space<vmem>>
    %dma_start3A_46 = tpu.memref_slice %arg2[%add3A_35] : memref<1179648xf32, #tpu.memory_space<hbm>> -> memref<3456xf32, #tpu.memory_space<hbm>>
    %dma_start3A_47 = arith.constant 0 : i32
    %dma_start3A_48 = tpu.memref_slice %arg4[%dma_start3A_47] : memref<6912xf32, #tpu.memory_space<vmem>> -> memref<3456xf32, #tpu.memory_space<vmem>>
    %dma_start3A_49 = tpu.memref_slice %arg2[%add3A_35] : memref<1179648xf32, #tpu.memory_space<hbm>> -> memref<3456xf32, #tpu.memory_space<hbm>>
    tpu.enqueue_dma source(%dma_start3A_49 : memref<3456xf32, #tpu.memory_space<hbm>>) target(%dma_start3A_48 : memref<3456xf32, #tpu.memory_space<vmem>>) target_semaphore(%arg8 : memref<!tpu.dma_semaphore, #tpu.memory_space<semaphore_mem>>)
    %dma_start3A_50 = arith.constant 0 : i32
    %dma_start3A_51 = tpu.memref_slice %arg5[%dma_start3A_50] : memref<6912xf32, #tpu.memory_space<vmem>> -> memref<3456xf32, #tpu.memory_space<vmem>>
    %dma_start3A_52 = tpu.memref_slice %arg2[%add3A_37] : memref<1179648xf32, #tpu.memory_space<hbm>> -> memref<3456xf32, #tpu.memory_space<hbm>>
    %dma_start3A_53 = arith.constant 0 : i32
    %dma_start3A_54 = tpu.memref_slice %arg5[%dma_start3A_53] : memref<6912xf32, #tpu.memory_space<vmem>> -> memref<3456xf32, #tpu.memory_space<vmem>>
    %dma_start3A_55 = tpu.memref_slice %arg2[%add3A_37] : memref<1179648xf32, #tpu.memory_space<hbm>> -> memref<3456xf32, #tpu.memory_space<hbm>>
    tpu.enqueue_dma source(%dma_start3A_55 : memref<3456xf32, #tpu.memory_space<hbm>>) target(%dma_start3A_54 : memref<3456xf32, #tpu.memory_space<vmem>>) target_semaphore(%arg8 : memref<!tpu.dma_semaphore, #tpu.memory_space<semaphore_mem>>)
    %add3A_56 = arith.constant 3456 : i32
    %add3A_57 = arith.addi %add3A_35, %add3A_56 : i32
    %dma_start3A_58 = arith.constant 3456 : i32
    %dma_start3A_59 = tpu.memref_slice %arg4[%dma_start3A_58] : memref<6912xf32, #tpu.memory_space<vmem>> -> memref<3456xf32, #tpu.memory_space<vmem>>
    %dma_start3A_60 = tpu.memref_slice %arg2[%add3A_57] : memref<1179648xf32, #tpu.memory_space<hbm>> -> memref<3456xf32, #tpu.memory_space<hbm>>
    %dma_start3A_61 = arith.constant 3456 : i32
    %dma_start3A_62 = tpu.memref_slice %arg4[%dma_start3A_61] : memref<6912xf32, #tpu.memory_space<vmem>> -> memref<3456xf32, #tpu.memory_space<vmem>>
    %dma_start3A_63 = tpu.memref_slice %arg2[%add3A_57] : memref<1179648xf32, #tpu.memory_space<hbm>> -> memref<3456xf32, #tpu.memory_space<hbm>>
    tpu.enqueue_dma source(%dma_start3A_63 : memref<3456xf32, #tpu.memory_space<hbm>>) target(%dma_start3A_62 : memref<3456xf32, #tpu.memory_space<vmem>>) target_semaphore(%arg9 : memref<!tpu.dma_semaphore, #tpu.memory_space<semaphore_mem>>)
    %add3A_64 = arith.constant 3456 : i32
    %add3A_65 = arith.addi %add3A_37, %add3A_64 : i32
    %dma_start3A_66 = arith.constant 3456 : i32
    %dma_start3A_67 = tpu.memref_slice %arg5[%dma_start3A_66] : memref<6912xf32, #tpu.memory_space<vmem>> -> memref<3456xf32, #tpu.memory_space<vmem>>
    %dma_start3A_68 = tpu.memref_slice %arg2[%add3A_65] : memref<1179648xf32, #tpu.memory_space<hbm>> -> memref<3456xf32, #tpu.memory_space<hbm>>
    %dma_start3A_69 = arith.constant 3456 : i32
    %dma_start3A_70 = tpu.memref_slice %arg5[%dma_start3A_69] : memref<6912xf32, #tpu.memory_space<vmem>> -> memref<3456xf32, #tpu.memory_space<vmem>>
    %dma_start3A_71 = tpu.memref_slice %arg2[%add3A_65] : memref<1179648xf32, #tpu.memory_space<hbm>> -> memref<3456xf32, #tpu.memory_space<hbm>>
    tpu.enqueue_dma source(%dma_start3A_71 : memref<3456xf32, #tpu.memory_space<hbm>>) target(%dma_start3A_70 : memref<3456xf32, #tpu.memory_space<vmem>>) target_semaphore(%arg9 : memref<!tpu.dma_semaphore, #tpu.memory_space<semaphore_mem>>)
    %dma_wait3A = arith.constant 0 : i32
    %dma_wait3A_72 = tpu.memref_slice %arg4[%dma_wait3A] : memref<6912xf32, #tpu.memory_space<vmem>> -> memref<3456xf32, #tpu.memory_space<vmem>>
    %dma_wait3A_73 = tpu.memref_slice %arg2[%add3A_35] : memref<1179648xf32, #tpu.memory_space<hbm>> -> memref<3456xf32, #tpu.memory_space<hbm>>
    %dma_wait3A_74 = arith.constant 0 : i32
    %dma_wait3A_75 = tpu.memref_slice %arg4[%dma_wait3A_74] : memref<6912xf32, #tpu.memory_space<vmem>> -> memref<3456xf32, #tpu.memory_space<vmem>>
    %dma_wait3A_76 = tpu.memref_slice %arg2[%add3A_35] : memref<1179648xf32, #tpu.memory_space<hbm>> -> memref<3456xf32, #tpu.memory_space<hbm>>
    tpu.wait_dma2 semaphore(%arg8 : memref<!tpu.dma_semaphore, #tpu.memory_space<semaphore_mem>>) src(%dma_wait3A_76 : memref<3456xf32, #tpu.memory_space<hbm>>) dst(%dma_wait3A_75 : memref<3456xf32, #tpu.memory_space<vmem>>)
    %dma_wait3A_77 = arith.constant 0 : i32
    %dma_wait3A_78 = tpu.memref_slice %arg5[%dma_wait3A_77] : memref<6912xf32, #tpu.memory_space<vmem>> -> memref<3456xf32, #tpu.memory_space<vmem>>
    %dma_wait3A_79 = tpu.memref_slice %arg2[%add3A_37] : memref<1179648xf32, #tpu.memory_space<hbm>> -> memref<3456xf32, #tpu.memory_space<hbm>>
    %dma_wait3A_80 = arith.constant 0 : i32
    %dma_wait3A_81 = tpu.memref_slice %arg5[%dma_wait3A_80] : memref<6912xf32, #tpu.memory_space<vmem>> -> memref<3456xf32, #tpu.memory_space<vmem>>
    %dma_wait3A_82 = tpu.memref_slice %arg2[%add3A_37] : memref<1179648xf32, #tpu.memory_space<hbm>> -> memref<3456xf32, #tpu.memory_space<hbm>>
    tpu.wait_dma2 semaphore(%arg8 : memref<!tpu.dma_semaphore, #tpu.memory_space<semaphore_mem>>) src(%dma_wait3A_82 : memref<3456xf32, #tpu.memory_space<hbm>>) dst(%dma_wait3A_81 : memref<3456xf32, #tpu.memory_space<vmem>>)
    %scan3A = arith.constant 0 : i32
    %scan3A_83 = arith.constant 0 : i32
    %scan3A_84 = arith.constant 108 : i32
    %scan3A_85 = arith.addi %scan3A_83, %scan3A_84 : i32
    %scan3A_86 = arith.constant 1 : i32
    scf.for %scan3A_158 = %scan3A_83 to %scan3A_85 step %scan3A_86  : i32 {
      %mul3A_159 = arith.constant 2 : i32
      %mul3A_160 = arith.muli %scan3A_158, %mul3A_159 : i32
      %add3A_161 = arith.constant 0 : i32
      %add3A_162 = arith.addi %mul3A_160, %add3A_161 : i32
      %mul3A_163 = arith.constant 16 : i32
      %mul3A_164 = arith.muli %add3A_162, %mul3A_163 : i32
      %get3A = arith.index_cast %mul3A_164 : i32 to index
      %get3A_165 = tpu.vector_load %arg4[%get3A] {strides = array<i32>} : memref<6912xf32, #tpu.memory_space<vmem>>, vector<16xf32>,
      %get3A_166 = vector.shape_cast %get3A_165 : vector<16xf32> to vector<16xf32>
      %get3A_167 = arith.index_cast %mul3A_164 : i32 to index
      %get3A_168 = tpu.vector_load %arg5[%get3A_167] {strides = array<i32>} : memref<6912xf32, #tpu.memory_space<vmem>>, vector<16xf32>,
      %get3A_169 = vector.shape_cast %get3A_168 : vector<16xf32> to vector<16xf32>
      %min3A = arith.minimumf %get3A_166, %get3A_169 : vector<16xf32>
      %max3A = arith.maximumf %get3A_166, %get3A_169 : vector<16xf32>
      %sub3A_170 = arith.subf %max3A, %min3A : vector<16xf32>
      %mul3A_171 = arith.constant 6.250000e-02 : f32
      %mul3A_172 = vector.broadcast %mul3A_171 : f32 to vector<16xf32>
      %mul3A_173 = arith.mulf %sub3A_170, %mul3A_172 : vector<16xf32>
      %mul3A_174 = arith.constant 2.000000e+00 : f32
      %mul3A_175 = vector.broadcast %mul3A_174 : f32 to vector<16xf32>
      %mul3A_176 = arith.mulf %mul3A_175, %mul3A_173 : vector<16xf32>
      %sub3A_177 = arith.subf %min3A, %mul3A_176 : vector<16xf32>
      %max3A_178 = arith.constant 9.99999993E-9 : f32
      %max3A_179 = vector.broadcast %max3A_178 : f32 to vector<16xf32>
      %max3A_180 = arith.maximumf %mul3A_173, %max3A_179 : vector<16xf32>
      %div3A_181 = arith.constant 1.000000e+00 : f32
      %div3A_182 = vector.broadcast %div3A_181 : f32 to vector<16xf32>
      %div3A_183 = arith.divf %div3A_182, %max3A_180 : vector<16xf32>
      %sub3A_184 = arith.subf %get3A_166, %sub3A_177 : vector<16xf32>
      %mul3A_185 = arith.mulf %sub3A_184, %div3A_183 : vector<16xf32>
      %sub3A_186 = arith.subf %get3A_169, %sub3A_177 : vector<16xf32>
      %mul3A_187 = arith.mulf %sub3A_186, %div3A_183 : vector<16xf32>
      %convert_element_type3A = arith.fptosi %mul3A_185 : vector<16xf32> to vector<16xi32>
      %convert_element_type3A_188 = arith.sitofp %convert_element_type3A : vector<16xi32> to vector<16xf32>
      %convert_element_type3A_189 = arith.fptosi %mul3A_187 : vector<16xf32> to vector<16xi32>
      %convert_element_type3A_190 = arith.sitofp %convert_element_type3A_189 : vector<16xi32> to vector<16xf32>
      %sub3A_191 = arith.subf %mul3A_185, %convert_element_type3A_188 : vector<16xf32>
      %sub3A_192 = arith.subf %mul3A_187, %convert_element_type3A_190 : vector<16xf32>
      %broadcast_in_dim3A = arith.constant 0.000000e+00 : f32
      %broadcast_in_dim3A_193 = vector.broadcast %broadcast_in_dim3A : f32 to vector<16xf32>
      %mul3A_194 = arith.constant 5.000000e-01 : f32
      %mul3A_195 = vector.broadcast %mul3A_194 : f32 to vector<16xf32>
      %mul3A_196 = arith.mulf %mul3A_195, %sub3A_191 : vector<16xf32>
      %sub3A_197 = arith.constant 1.000000e+00 : f32
      %sub3A_198 = vector.broadcast %sub3A_197 : f32 to vector<16xf32>
      %sub3A_199 = arith.subf %mul3A_196, %sub3A_198 : vector<16xf32>
      %mul3A_200 = arith.mulf %sub3A_191, %sub3A_191 : vector<16xf32>
      %mul3A_201 = arith.mulf %sub3A_199, %mul3A_200 : vector<16xf32>
      %add3A_202 = arith.constant 0.666666686 : f32
      %add3A_203 = vector.broadcast %add3A_202 : f32 to vector<16xf32>
      %add3A_204 = arith.addf %mul3A_201, %add3A_203 : vector<16xf32>
      %mul3A_205 = arith.constant 5.000000e-01 : f32
      %mul3A_206 = vector.broadcast %mul3A_205 : f32 to vector<16xf32>
      %mul3A_207 = arith.mulf %mul3A_206, %sub3A_192 : vector<16xf32>
      %sub3A_208 = arith.constant 1.000000e+00 : f32
      %sub3A_209 = vector.broadcast %sub3A_208 : f32 to vector<16xf32>
      %sub3A_210 = arith.subf %mul3A_207, %sub3A_209 : vector<16xf32>
      %mul3A_211 = arith.mulf %sub3A_192, %sub3A_192 : vector<16xf32>
      %mul3A_212 = arith.mulf %sub3A_210, %mul3A_211 : vector<16xf32>
      %add3A_213 = arith.constant 0.666666686 : f32
      %add3A_214 = vector.broadcast %add3A_213 : f32 to vector<16xf32>
      %add3A_215 = arith.addf %mul3A_212, %add3A_214 : vector<16xf32>
      %ge3A = arith.constant 1.000000e+00 : f32
      %ge3A_216 = vector.broadcast %ge3A : f32 to vector<16xf32>
      %ge3A_217 = arith.cmpf oge, %convert_element_type3A_188, %ge3A_216 : vector<16xf32>
      %sub3A_218 = arith.subf %mul3A_187, %convert_element_type3A_188 : vector<16xf32>
      %abs3A = math.absf %sub3A_218 : vector<16xf32>
      %mul3A_219 = arith.constant 5.000000e-01 : f32
      %mul3A_220 = vector.broadcast %mul3A_219 : f32 to vector<16xf32>
      %mul3A_221 = arith.mulf %mul3A_220, %abs3A : vector<16xf32>
      %sub3A_222 = arith.constant 1.000000e+00 : f32
      %sub3A_223 = vector.broadcast %sub3A_222 : f32 to vector<16xf32>
      %sub3A_224 = arith.subf %mul3A_221, %sub3A_223 : vector<16xf32>
      %mul3A_225 = arith.mulf %abs3A, %abs3A : vector<16xf32>
      %mul3A_226 = arith.mulf %sub3A_224, %mul3A_225 : vector<16xf32>
      %add3A_227 = arith.constant 0.666666686 : f32
      %add3A_228 = vector.broadcast %add3A_227 : f32 to vector<16xf32>
      %add3A_229 = arith.addf %mul3A_226, %add3A_228 : vector<16xf32>
      %sub3A_230 = arith.constant 2.000000e+00 : f32
      %sub3A_231 = vector.broadcast %sub3A_230 : f32 to vector<16xf32>
      %sub3A_232 = arith.subf %sub3A_231, %abs3A : vector<16xf32>
      %max3A_233 = arith.constant 0.000000e+00 : f32
      %max3A_234 = vector.broadcast %max3A_233 : f32 to vector<16xf32>
      %max3A_235 = arith.maximumf %sub3A_232, %max3A_234 : vector<16xf32>
      %mul3A_236 = arith.mulf %max3A_235, %max3A_235 : vector<16xf32>
      %mul3A_237 = arith.mulf %mul3A_236, %max3A_235 : vector<16xf32>
      %mul3A_238 = arith.constant 0.166666672 : f32
      %mul3A_239 = vector.broadcast %mul3A_238 : f32 to vector<16xf32>
      %mul3A_240 = arith.mulf %mul3A_237, %mul3A_239 : vector<16xf32>
      %lt3A_241 = arith.constant 1.000000e+00 : f32
      %lt3A_242 = vector.broadcast %lt3A_241 : f32 to vector<16xf32>
      %lt3A_243 = arith.cmpf olt, %abs3A, %lt3A_242 : vector<16xf32>
      %select_n3A_244 = arith.select %lt3A_243, %add3A_229, %mul3A_240 : vector<16xi1>, vector<16xf32>
      %add3A_245 = arith.addf %add3A_204, %select_n3A_244 : vector<16xf32>
      %select_n3A_246 = arith.select %ge3A_217, %add3A_245, %broadcast_in_dim3A_193 : vector<16xi1>, vector<16xf32>
      %ge3A_247 = arith.constant 1.000000e+00 : f32
      %ge3A_248 = vector.broadcast %ge3A_247 : f32 to vector<16xf32>
      %ge3A_249 = arith.cmpf oge, %convert_element_type3A_190, %ge3A_248 : vector<16xf32>
      %sub3A_250 = arith.subf %mul3A_185, %convert_element_type3A_190 : vector<16xf32>
      %abs3A_251 = math.absf %sub3A_250 : vector<16xf32>
      %mul3A_252 = arith.constant 5.000000e-01 : f32
      %mul3A_253 = vector.broadcast %mul3A_252 : f32 to vector<16xf32>
      %mul3A_254 = arith.mulf %mul3A_253, %abs3A_251 : vector<16xf32>
      %sub3A_255 = arith.constant 1.000000e+00 : f32
      %sub3A_256 = vector.broadcast %sub3A_255 : f32 to vector<16xf32>
      %sub3A_257 = arith.subf %mul3A_254, %sub3A_256 : vector<16xf32>
      %mul3A_258 = arith.mulf %abs3A_251, %abs3A_251 : vector<16xf32>
      %mul3A_259 = arith.mulf %sub3A_257, %mul3A_258 : vector<16xf32>
      %add3A_260 = arith.constant 0.666666686 : f32
      %add3A_261 = vector.broadcast %add3A_260 : f32 to vector<16xf32>
      %add3A_262 = arith.addf %mul3A_259, %add3A_261 : vector<16xf32>
      %sub3A_263 = arith.constant 2.000000e+00 : f32
      %sub3A_264 = vector.broadcast %sub3A_263 : f32 to vector<16xf32>
      %sub3A_265 = arith.subf %sub3A_264, %abs3A_251 : vector<16xf32>
      %max3A_266 = arith.constant 0.000000e+00 : f32
      %max3A_267 = vector.broadcast %max3A_266 : f32 to vector<16xf32>
      %max3A_268 = arith.maximumf %sub3A_265, %max3A_267 : vector<16xf32>
      %mul3A_269 = arith.mulf %max3A_268, %max3A_268 : vector<16xf32>
      %mul3A_270 = arith.mulf %mul3A_269, %max3A_268 : vector<16xf32>
      %mul3A_271 = arith.constant 0.166666672 : f32
      %mul3A_272 = vector.broadcast %mul3A_271 : f32 to vector<16xf32>
      %mul3A_273 = arith.mulf %mul3A_270, %mul3A_272 : vector<16xf32>
      %lt3A_274 = arith.constant 1.000000e+00 : f32
      %lt3A_275 = vector.broadcast %lt3A_274 : f32 to vector<16xf32>
      %lt3A_276 = arith.cmpf olt, %abs3A_251, %lt3A_275 : vector<16xf32>
      %select_n3A_277 = arith.select %lt3A_276, %add3A_262, %mul3A_273 : vector<16xi1>, vector<16xf32>
      %add3A_278 = arith.addf %add3A_215, %select_n3A_277 : vector<16xf32>
      %select_n3A_279 = arith.select %ge3A_249, %add3A_278, %broadcast_in_dim3A_193 : vector<16xi1>, vector<16xf32>
      %sub3A_280 = arith.constant 2.000000e+00 : f32
      %sub3A_281 = vector.broadcast %sub3A_280 : f32 to vector<16xf32>
      %sub3A_282 = arith.subf %sub3A_281, %mul3A_185 : vector<16xf32>
      %max3A_283 = arith.constant 0.000000e+00 : f32
      %max3A_284 = vector.broadcast %max3A_283 : f32 to vector<16xf32>
      %max3A_285 = arith.maximumf %sub3A_282, %max3A_284 : vector<16xf32>
      %sub3A_286 = arith.constant 2.000000e+00 : f32
      %sub3A_287 = vector.broadcast %sub3A_286 : f32 to vector<16xf32>
      %sub3A_288 = arith.subf %sub3A_287, %mul3A_187 : vector<16xf32>
      %max3A_289 = arith.constant 0.000000e+00 : f32
      %max3A_290 = vector.broadcast %max3A_289 : f32 to vector<16xf32>
      %max3A_291 = arith.maximumf %sub3A_288, %max3A_290 : vector<16xf32>
      %sub3A_292 = arith.constant 1.000000e+00 : f32
      %sub3A_293 = vector.broadcast %sub3A_292 : f32 to vector<16xf32>
      %sub3A_294 = arith.subf %sub3A_293, %mul3A_185 : vector<16xf32>
      %max3A_295 = arith.constant 0.000000e+00 : f32
      %max3A_296 = vector.broadcast %max3A_295 : f32 to vector<16xf32>
      %max3A_297 = arith.maximumf %sub3A_294, %max3A_296 : vector<16xf32>
      %sub3A_298 = arith.constant 1.000000e+00 : f32
      %sub3A_299 = vector.broadcast %sub3A_298 : f32 to vector<16xf32>
      %sub3A_300 = arith.subf %sub3A_299, %mul3A_187 : vector<16xf32>
      %max3A_301 = arith.constant 0.000000e+00 : f32
      %max3A_302 = vector.broadcast %max3A_301 : f32 to vector<16xf32>
      %max3A_303 = arith.maximumf %sub3A_300, %max3A_302 : vector<16xf32>
      %mul3A_304 = arith.mulf %max3A_285, %max3A_285 : vector<16xf32>
      %mul3A_305 = arith.mulf %mul3A_304, %max3A_285 : vector<16xf32>
      %mul3A_306 = arith.mulf %max3A_291, %max3A_291 : vector<16xf32>
      %mul3A_307 = arith.mulf %mul3A_306, %max3A_291 : vector<16xf32>
      %add3A_308 = arith.addf %mul3A_305, %mul3A_307 : vector<16xf32>
      %mul3A_309 = arith.mulf %max3A_297, %max3A_297 : vector<16xf32>
      %mul3A_310 = arith.mulf %mul3A_309, %max3A_297 : vector<16xf32>
      %mul3A_311 = arith.mulf %max3A_303, %max3A_303 : vector<16xf32>
      %mul3A_312 = arith.mulf %mul3A_311, %max3A_303 : vector<16xf32>
      %add3A_313 = arith.addf %mul3A_310, %mul3A_312 : vector<16xf32>
      %mul3A_314 = arith.constant 0.166666672 : f32
      %mul3A_315 = vector.broadcast %mul3A_314 : f32 to vector<16xf32>
      %mul3A_316 = arith.mulf %add3A_308, %mul3A_315 : vector<16xf32>
      %sub3A_317 = arith.constant 2.000000e+00 : f32
      %sub3A_318 = vector.broadcast %sub3A_317 : f32 to vector<16xf32>
      %sub3A_319 = arith.subf %sub3A_318, %mul3A_316 : vector<16xf32>
      %mul3A_320 = arith.constant 5.000000e-01 : f32
      %mul3A_321 = vector.broadcast %mul3A_320 : f32 to vector<16xf32>
      %mul3A_322 = arith.mulf %add3A_313, %mul3A_321 : vector<16xf32>
      %add3A_323 = arith.addf %sub3A_319, %mul3A_322 : vector<16xf32>
      %max3A_324 = arith.constant 9.99999993E-9 : f32
      %max3A_325 = vector.broadcast %max3A_324 : f32 to vector<16xf32>
      %max3A_326 = arith.maximumf %add3A_323, %max3A_325 : vector<16xf32>
      %div3A_327 = arith.constant 1.000000e+00 : f32
      %div3A_328 = vector.broadcast %div3A_327 : f32 to vector<16xf32>
      %div3A_329 = arith.divf %div3A_328, %max3A_326 : vector<16xf32>
      %mul3A_330 = arith.mulf %select_n3A_246, %div3A_329 : vector<16xf32>
      %mul3A_331 = arith.mulf %select_n3A_279, %div3A_329 : vector<16xf32>
      %swap3A = arith.index_cast %mul3A_164 : i32 to index
      %swap3A_332 = tpu.vector_load %arg6[%swap3A] {strides = array<i32>} : memref<6912xf32, #tpu.memory_space<vmem>>, vector<16xf32>,
      %swap3A_333 = vector.shape_cast %swap3A_332 : vector<16xf32> to vector<16xf32>
      %swap3A_334 = vector.shape_cast %mul3A_330 : vector<16xf32> to vector<16xf32>
      tpu.vector_store %arg6[%swap3A], %swap3A_334 {strides = array<i32>} : memref<6912xf32, #tpu.memory_space<vmem>>, vector<16xf32>,
      %swap3A_335 = arith.index_cast %mul3A_164 : i32 to index
      %swap3A_336 = tpu.vector_load %arg7[%swap3A_335] {strides = array<i32>} : memref<6912xf32, #tpu.memory_space<vmem>>, vector<16xf32>,
      %swap3A_337 = vector.shape_cast %swap3A_336 : vector<16xf32> to vector<16xf32>
      %swap3A_338 = vector.shape_cast %mul3A_331 : vector<16xf32> to vector<16xf32>
      tpu.vector_store %arg7[%swap3A_335], %swap3A_338 {strides = array<i32>} : memref<6912xf32, #tpu.memory_space<vmem>>, vector<16xf32>,
      %mul3A_339 = arith.constant 2 : i32
      %mul3A_340 = arith.muli %scan3A_158, %mul3A_339 : i32
      %add3A_341 = arith.constant 1 : i32
      %add3A_342 = arith.addi %mul3A_340, %add3A_341 : i32
      %mul3A_343 = arith.constant 16 : i32
      %mul3A_344 = arith.muli %add3A_342, %mul3A_343 : i32
      %get3A_345 = arith.index_cast %mul3A_344 : i32 to index
      %get3A_346 = tpu.vector_load %arg4[%get3A_345] {strides = array<i32>} : memref<6912xf32, #tpu.memory_space<vmem>>, vector<16xf32>,
      %get3A_347 = vector.shape_cast %get3A_346 : vector<16xf32> to vector<16xf32>
      %get3A_348 = arith.index_cast %mul3A_344 : i32 to index
      %get3A_349 = tpu.vector_load %arg5[%get3A_348] {strides = array<i32>} : memref<6912xf32, #tpu.memory_space<vmem>>, vector<16xf32>,
      %get3A_350 = vector.shape_cast %get3A_349 : vector<16xf32> to vector<16xf32>
      %min3A_351 = arith.minimumf %get3A_347, %get3A_350 : vector<16xf32>
      %max3A_352 = arith.maximumf %get3A_347, %get3A_350 : vector<16xf32>
      %sub3A_353 = arith.subf %max3A_352, %min3A_351 : vector<16xf32>
      %mul3A_354 = arith.constant 6.250000e-02 : f32
      %mul3A_355 = vector.broadcast %mul3A_354 : f32 to vector<16xf32>
      %mul3A_356 = arith.mulf %sub3A_353, %mul3A_355 : vector<16xf32>
      %mul3A_357 = arith.constant 2.000000e+00 : f32
      %mul3A_358 = vector.broadcast %mul3A_357 : f32 to vector<16xf32>
      %mul3A_359 = arith.mulf %mul3A_358, %mul3A_356 : vector<16xf32>
      %sub3A_360 = arith.subf %min3A_351, %mul3A_359 : vector<16xf32>
      %max3A_361 = arith.constant 9.99999993E-9 : f32
      %max3A_362 = vector.broadcast %max3A_361 : f32 to vector<16xf32>
      %max3A_363 = arith.maximumf %mul3A_356, %max3A_362 : vector<16xf32>
      %div3A_364 = arith.constant 1.000000e+00 : f32
      %div3A_365 = vector.broadcast %div3A_364 : f32 to vector<16xf32>
      %div3A_366 = arith.divf %div3A_365, %max3A_363 : vector<16xf32>
      %sub3A_367 = arith.subf %get3A_347, %sub3A_360 : vector<16xf32>
      %mul3A_368 = arith.mulf %sub3A_367, %div3A_366 : vector<16xf32>
      %sub3A_369 = arith.subf %get3A_350, %sub3A_360 : vector<16xf32>
      %mul3A_370 = arith.mulf %sub3A_369, %div3A_366 : vector<16xf32>
      %convert_element_type3A_371 = arith.fptosi %mul3A_368 : vector<16xf32> to vector<16xi32>
      %convert_element_type3A_372 = arith.sitofp %convert_element_type3A_371 : vector<16xi32> to vector<16xf32>
      %convert_element_type3A_373 = arith.fptosi %mul3A_370 : vector<16xf32> to vector<16xi32>
      %convert_element_type3A_374 = arith.sitofp %convert_element_type3A_373 : vector<16xi32> to vector<16xf32>
      %sub3A_375 = arith.subf %mul3A_368, %convert_element_type3A_372 : vector<16xf32>
      %sub3A_376 = arith.subf %mul3A_370, %convert_element_type3A_374 : vector<16xf32>
      %broadcast_in_dim3A_377 = arith.constant 0.000000e+00 : f32
      %broadcast_in_dim3A_378 = vector.broadcast %broadcast_in_dim3A_377 : f32 to vector<16xf32>
      %mul3A_379 = arith.constant 5.000000e-01 : f32
      %mul3A_380 = vector.broadcast %mul3A_379 : f32 to vector<16xf32>
      %mul3A_381 = arith.mulf %mul3A_380, %sub3A_375 : vector<16xf32>
      %sub3A_382 = arith.constant 1.000000e+00 : f32
      %sub3A_383 = vector.broadcast %sub3A_382 : f32 to vector<16xf32>
      %sub3A_384 = arith.subf %mul3A_381, %sub3A_383 : vector<16xf32>
      %mul3A_385 = arith.mulf %sub3A_375, %sub3A_375 : vector<16xf32>
      %mul3A_386 = arith.mulf %sub3A_384, %mul3A_385 : vector<16xf32>
      %add3A_387 = arith.constant 0.666666686 : f32
      %add3A_388 = vector.broadcast %add3A_387 : f32 to vector<16xf32>
      %add3A_389 = arith.addf %mul3A_386, %add3A_388 : vector<16xf32>
      %mul3A_390 = arith.constant 5.000000e-01 : f32
      %mul3A_391 = vector.broadcast %mul3A_390 : f32 to vector<16xf32>
      %mul3A_392 = arith.mulf %mul3A_391, %sub3A_376 : vector<16xf32>
      %sub3A_393 = arith.constant 1.000000e+00 : f32
      %sub3A_394 = vector.broadcast %sub3A_393 : f32 to vector<16xf32>
      %sub3A_395 = arith.subf %mul3A_392, %sub3A_394 : vector<16xf32>
      %mul3A_396 = arith.mulf %sub3A_376, %sub3A_376 : vector<16xf32>
      %mul3A_397 = arith.mulf %sub3A_395, %mul3A_396 : vector<16xf32>
      %add3A_398 = arith.constant 0.666666686 : f32
      %add3A_399 = vector.broadcast %add3A_398 : f32 to vector<16xf32>
      %add3A_400 = arith.addf %mul3A_397, %add3A_399 : vector<16xf32>
      %ge3A_401 = arith.constant 1.000000e+00 : f32
      %ge3A_402 = vector.broadcast %ge3A_401 : f32 to vector<16xf32>
      %ge3A_403 = arith.cmpf oge, %convert_element_type3A_372, %ge3A_402 : vector<16xf32>
      %sub3A_404 = arith.subf %mul3A_370, %convert_element_type3A_372 : vector<16xf32>
      %abs3A_405 = math.absf %sub3A_404 : vector<16xf32>
      %mul3A_406 = arith.constant 5.000000e-01 : f32
      %mul3A_407 = vector.broadcast %mul3A_406 : f32 to vector<16xf32>
      %mul3A_408 = arith.mulf %mul3A_407, %abs3A_405 : vector<16xf32>
      %sub3A_409 = arith.constant 1.000000e+00 : f32
      %sub3A_410 = vector.broadcast %sub3A_409 : f32 to vector<16xf32>
      %sub3A_411 = arith.subf %mul3A_408, %sub3A_410 : vector<16xf32>
      %mul3A_412 = arith.mulf %abs3A_405, %abs3A_405 : vector<16xf32>
      %mul3A_413 = arith.mulf %sub3A_411, %mul3A_412 : vector<16xf32>
      %add3A_414 = arith.constant 0.666666686 : f32
      %add3A_415 = vector.broadcast %add3A_414 : f32 to vector<16xf32>
      %add3A_416 = arith.addf %mul3A_413, %add3A_415 : vector<16xf32>
      %sub3A_417 = arith.constant 2.000000e+00 : f32
      %sub3A_418 = vector.broadcast %sub3A_417 : f32 to vector<16xf32>
      %sub3A_419 = arith.subf %sub3A_418, %abs3A_405 : vector<16xf32>
      %max3A_420 = arith.constant 0.000000e+00 : f32
      %max3A_421 = vector.broadcast %max3A_420 : f32 to vector<16xf32>
      %max3A_422 = arith.maximumf %sub3A_419, %max3A_421 : vector<16xf32>
      %mul3A_423 = arith.mulf %max3A_422, %max3A_422 : vector<16xf32>
      %mul3A_424 = arith.mulf %mul3A_423, %max3A_422 : vector<16xf32>
      %mul3A_425 = arith.constant 0.166666672 : f32
      %mul3A_426 = vector.broadcast %mul3A_425 : f32 to vector<16xf32>
      %mul3A_427 = arith.mulf %mul3A_424, %mul3A_426 : vector<16xf32>
      %lt3A_428 = arith.constant 1.000000e+00 : f32
      %lt3A_429 = vector.broadcast %lt3A_428 : f32 to vector<16xf32>
      %lt3A_430 = arith.cmpf olt, %abs3A_405, %lt3A_429 : vector<16xf32>
      %select_n3A_431 = arith.select %lt3A_430, %add3A_416, %mul3A_427 : vector<16xi1>, vector<16xf32>
      %add3A_432 = arith.addf %add3A_389, %select_n3A_431 : vector<16xf32>
      %select_n3A_433 = arith.select %ge3A_403, %add3A_432, %broadcast_in_dim3A_378 : vector<16xi1>, vector<16xf32>
      %ge3A_434 = arith.constant 1.000000e+00 : f32
      %ge3A_435 = vector.broadcast %ge3A_434 : f32 to vector<16xf32>
      %ge3A_436 = arith.cmpf oge, %convert_element_type3A_374, %ge3A_435 : vector<16xf32>
      %sub3A_437 = arith.subf %mul3A_368, %convert_element_type3A_374 : vector<16xf32>
      %abs3A_438 = math.absf %sub3A_437 : vector<16xf32>
      %mul3A_439 = arith.constant 5.000000e-01 : f32
      %mul3A_440 = vector.broadcast %mul3A_439 : f32 to vector<16xf32>
      %mul3A_441 = arith.mulf %mul3A_440, %abs3A_438 : vector<16xf32>
      %sub3A_442 = arith.constant 1.000000e+00 : f32
      %sub3A_443 = vector.broadcast %sub3A_442 : f32 to vector<16xf32>
      %sub3A_444 = arith.subf %mul3A_441, %sub3A_443 : vector<16xf32>
      %mul3A_445 = arith.mulf %abs3A_438, %abs3A_438 : vector<16xf32>
      %mul3A_446 = arith.mulf %sub3A_444, %mul3A_445 : vector<16xf32>
      %add3A_447 = arith.constant 0.666666686 : f32
      %add3A_448 = vector.broadcast %add3A_447 : f32 to vector<16xf32>
      %add3A_449 = arith.addf %mul3A_446, %add3A_448 : vector<16xf32>
      %sub3A_450 = arith.constant 2.000000e+00 : f32
      %sub3A_451 = vector.broadcast %sub3A_450 : f32 to vector<16xf32>
      %sub3A_452 = arith.subf %sub3A_451, %abs3A_438 : vector<16xf32>
      %max3A_453 = arith.constant 0.000000e+00 : f32
      %max3A_454 = vector.broadcast %max3A_453 : f32 to vector<16xf32>
      %max3A_455 = arith.maximumf %sub3A_452, %max3A_454 : vector<16xf32>
      %mul3A_456 = arith.mulf %max3A_455, %max3A_455 : vector<16xf32>
      %mul3A_457 = arith.mulf %mul3A_456, %max3A_455 : vector<16xf32>
      %mul3A_458 = arith.constant 0.166666672 : f32
      %mul3A_459 = vector.broadcast %mul3A_458 : f32 to vector<16xf32>
      %mul3A_460 = arith.mulf %mul3A_457, %mul3A_459 : vector<16xf32>
      %lt3A_461 = arith.constant 1.000000e+00 : f32
      %lt3A_462 = vector.broadcast %lt3A_461 : f32 to vector<16xf32>
      %lt3A_463 = arith.cmpf olt, %abs3A_438, %lt3A_462 : vector<16xf32>
      %select_n3A_464 = arith.select %lt3A_463, %add3A_449, %mul3A_460 : vector<16xi1>, vector<16xf32>
      %add3A_465 = arith.addf %add3A_400, %select_n3A_464 : vector<16xf32>
      %select_n3A_466 = arith.select %ge3A_436, %add3A_465, %broadcast_in_dim3A_378 : vector<16xi1>, vector<16xf32>
      %sub3A_467 = arith.constant 2.000000e+00 : f32
      %sub3A_468 = vector.broadcast %sub3A_467 : f32 to vector<16xf32>
      %sub3A_469 = arith.subf %sub3A_468, %mul3A_368 : vector<16xf32>
      %max3A_470 = arith.constant 0.000000e+00 : f32
      %max3A_471 = vector.broadcast %max3A_470 : f32 to vector<16xf32>
      %max3A_472 = arith.maximumf %sub3A_469, %max3A_471 : vector<16xf32>
      %sub3A_473 = arith.constant 2.000000e+00 : f32
      %sub3A_474 = vector.broadcast %sub3A_473 : f32 to vector<16xf32>
      %sub3A_475 = arith.subf %sub3A_474, %mul3A_370 : vector<16xf32>
      %max3A_476 = arith.constant 0.000000e+00 : f32
      %max3A_477 = vector.broadcast %max3A_476 : f32 to vector<16xf32>
      %max3A_478 = arith.maximumf %sub3A_475, %max3A_477 : vector<16xf32>
      %sub3A_479 = arith.constant 1.000000e+00 : f32
      %sub3A_480 = vector.broadcast %sub3A_479 : f32 to vector<16xf32>
      %sub3A_481 = arith.subf %sub3A_480, %mul3A_368 : vector<16xf32>
      %max3A_482 = arith.constant 0.000000e+00 : f32
      %max3A_483 = vector.broadcast %max3A_482 : f32 to vector<16xf32>
      %max3A_484 = arith.maximumf %sub3A_481, %max3A_483 : vector<16xf32>
      %sub3A_485 = arith.constant 1.000000e+00 : f32
      %sub3A_486 = vector.broadcast %sub3A_485 : f32 to vector<16xf32>
      %sub3A_487 = arith.subf %sub3A_486, %mul3A_370 : vector<16xf32>
      %max3A_488 = arith.constant 0.000000e+00 : f32
      %max3A_489 = vector.broadcast %max3A_488 : f32 to vector<16xf32>
      %max3A_490 = arith.maximumf %sub3A_487, %max3A_489 : vector<16xf32>
      %mul3A_491 = arith.mulf %max3A_472, %max3A_472 : vector<16xf32>
      %mul3A_492 = arith.mulf %mul3A_491, %max3A_472 : vector<16xf32>
      %mul3A_493 = arith.mulf %max3A_478, %max3A_478 : vector<16xf32>
      %mul3A_494 = arith.mulf %mul3A_493, %max3A_478 : vector<16xf32>
      %add3A_495 = arith.addf %mul3A_492, %mul3A_494 : vector<16xf32>
      %mul3A_496 = arith.mulf %max3A_484, %max3A_484 : vector<16xf32>
      %mul3A_497 = arith.mulf %mul3A_496, %max3A_484 : vector<16xf32>
      %mul3A_498 = arith.mulf %max3A_490, %max3A_490 : vector<16xf32>
      %mul3A_499 = arith.mulf %mul3A_498, %max3A_490 : vector<16xf32>
      %add3A_500 = arith.addf %mul3A_497, %mul3A_499 : vector<16xf32>
      %mul3A_501 = arith.constant 0.166666672 : f32
      %mul3A_502 = vector.broadcast %mul3A_501 : f32 to vector<16xf32>
      %mul3A_503 = arith.mulf %add3A_495, %mul3A_502 : vector<16xf32>
      %sub3A_504 = arith.constant 2.000000e+00 : f32
      %sub3A_505 = vector.broadcast %sub3A_504 : f32 to vector<16xf32>
      %sub3A_506 = arith.subf %sub3A_505, %mul3A_503 : vector<16xf32>
      %mul3A_507 = arith.constant 5.000000e-01 : f32
      %mul3A_508 = vector.broadcast %mul3A_507 : f32 to vector<16xf32>
      %mul3A_509 = arith.mulf %add3A_500, %mul3A_508 : vector<16xf32>
      %add3A_510 = arith.addf %sub3A_506, %mul3A_509 : vector<16xf32>
      %max3A_511 = arith.constant 9.99999993E-9 : f32
      %max3A_512 = vector.broadcast %max3A_511 : f32 to vector<16xf32>
      %max3A_513 = arith.maximumf %add3A_510, %max3A_512 : vector<16xf32>
      %div3A_514 = arith.constant 1.000000e+00 : f32
      %div3A_515 = vector.broadcast %div3A_514 : f32 to vector<16xf32>
      %div3A_516 = arith.divf %div3A_515, %max3A_513 : vector<16xf32>
      %mul3A_517 = arith.mulf %select_n3A_433, %div3A_516 : vector<16xf32>
      %mul3A_518 = arith.mulf %select_n3A_466, %div3A_516 : vector<16xf32>
      %swap3A_519 = arith.index_cast %mul3A_344 : i32 to index
      %swap3A_520 = tpu.vector_load %arg6[%swap3A_519] {strides = array<i32>} : memref<6912xf32, #tpu.memory_space<vmem>>, vector<16xf32>,
      %swap3A_521 = vector.shape_cast %swap3A_520 : vector<16xf32> to vector<16xf32>
      %swap3A_522 = vector.shape_cast %mul3A_517 : vector<16xf32> to vector<16xf32>
      tpu.vector_store %arg6[%swap3A_519], %swap3A_522 {strides = array<i32>} : memref<6912xf32, #tpu.memory_space<vmem>>, vector<16xf32>,
      %swap3A_523 = arith.index_cast %mul3A_344 : i32 to index
      %swap3A_524 = tpu.vector_load %arg7[%swap3A_523] {strides = array<i32>} : memref<6912xf32, #tpu.memory_space<vmem>>, vector<16xf32>,
      %swap3A_525 = vector.shape_cast %swap3A_524 : vector<16xf32> to vector<16xf32>
      %swap3A_526 = vector.shape_cast %mul3A_518 : vector<16xf32> to vector<16xf32>
      tpu.vector_store %arg7[%swap3A_523], %swap3A_526 {strides = array<i32>} : memref<6912xf32, #tpu.memory_space<vmem>>, vector<16xf32>,
    }
    %scan3A_87 = arith.constant 108 : i32
    %dma_start3A_88 = arith.constant 0 : i32
    %dma_start3A_89 = tpu.memref_slice %arg6[%dma_start3A_88] : memref<6912xf32, #tpu.memory_space<vmem>> -> memref<3456xf32, #tpu.memory_space<vmem>>
    %dma_start3A_90 = tpu.memref_slice %arg3[%add3A_42] : memref<442368xf32, #tpu.memory_space<hbm>> -> memref<3456xf32, #tpu.memory_space<hbm>>
    %dma_start3A_91 = tpu.memref_slice %arg3[%add3A_42] : memref<442368xf32, #tpu.memory_space<hbm>> -> memref<3456xf32, #tpu.memory_space<hbm>>
    %dma_start3A_92 = arith.constant 0 : i32
    %dma_start3A_93 = tpu.memref_slice %arg6[%dma_start3A_92] : memref<6912xf32, #tpu.memory_space<vmem>> -> memref<3456xf32, #tpu.memory_space<vmem>>
    tpu.enqueue_dma source(%dma_start3A_93 : memref<3456xf32, #tpu.memory_space<vmem>>) target(%dma_start3A_91 : memref<3456xf32, #tpu.memory_space<hbm>>) target_semaphore(%arg10 : memref<!tpu.dma_semaphore, #tpu.memory_space<semaphore_mem>>)
    %dma_start3A_94 = arith.constant 0 : i32
    %dma_start3A_95 = tpu.memref_slice %arg7[%dma_start3A_94] : memref<6912xf32, #tpu.memory_space<vmem>> -> memref<3456xf32, #tpu.memory_space<vmem>>
    %dma_start3A_96 = tpu.memref_slice %arg3[%add3A_44] : memref<442368xf32, #tpu.memory_space<hbm>> -> memref<3456xf32, #tpu.memory_space<hbm>>
    %dma_start3A_97 = tpu.memref_slice %arg3[%add3A_44] : memref<442368xf32, #tpu.memory_space<hbm>> -> memref<3456xf32, #tpu.memory_space<hbm>>
    %dma_start3A_98 = arith.constant 0 : i32
    %dma_start3A_99 = tpu.memref_slice %arg7[%dma_start3A_98] : memref<6912xf32, #tpu.memory_space<vmem>> -> memref<3456xf32, #tpu.memory_space<vmem>>
    tpu.enqueue_dma source(%dma_start3A_99 : memref<3456xf32, #tpu.memory_space<vmem>>) target(%dma_start3A_97 : memref<3456xf32, #tpu.memory_space<hbm>>) target_semaphore(%arg10 : memref<!tpu.dma_semaphore, #tpu.memory_space<semaphore_mem>>)
    %dma_wait3A_100 = arith.constant 3456 : i32
    %dma_wait3A_101 = tpu.memref_slice %arg4[%dma_wait3A_100] : memref<6912xf32, #tpu.memory_space<vmem>> -> memref<3456xf32, #tpu.memory_space<vmem>>
    %dma_wait3A_102 = tpu.memref_slice %arg2[%add3A_57] : memref<1179648xf32, #tpu.memory_space<hbm>> -> memref<3456xf32, #tpu.memory_space<hbm>>
    %dma_wait3A_103 = arith.constant 3456 : i32
    %dma_wait3A_104 = tpu.memref_slice %arg4[%dma_wait3A_103] : memref<6912xf32, #tpu.memory_space<vmem>> -> memref<3456xf32, #tpu.memory_space<vmem>>
    %dma_wait3A_105 = tpu.memref_slice %arg2[%add3A_57] : memref<1179648xf32, #tpu.memory_space<hbm>> -> memref<3456xf32, #tpu.memory_space<hbm>>
    tpu.wait_dma2 semaphore(%arg9 : memref<!tpu.dma_semaphore, #tpu.memory_space<semaphore_mem>>) src(%dma_wait3A_105 : memref<3456xf32, #tpu.memory_space<hbm>>) dst(%dma_wait3A_104 : memref<3456xf32, #tpu.memory_space<vmem>>)
    %dma_wait3A_106 = arith.constant 3456 : i32
    %dma_wait3A_107 = tpu.memref_slice %arg5[%dma_wait3A_106] : memref<6912xf32, #tpu.memory_space<vmem>> -> memref<3456xf32, #tpu.memory_space<vmem>>
    %dma_wait3A_108 = tpu.memref_slice %arg2[%add3A_65] : memref<1179648xf32, #tpu.memory_space<hbm>> -> memref<3456xf32, #tpu.memory_space<hbm>>
    %dma_wait3A_109 = arith.constant 3456 : i32
    %dma_wait3A_110 = tpu.memref_slice %arg5[%dma_wait3A_109] : memref<6912xf32, #tpu.memory_space<vmem>> -> memref<3456xf32, #tpu.memory_space<vmem>>
    %dma_wait3A_111 = tpu.memref_slice %arg2[%add3A_65] : memref<1179648xf32, #tpu.memory_space<hbm>> -> memref<3456xf32, #tpu.memory_space<hbm>>
    tpu.wait_dma2 semaphore(%arg9 : memref<!tpu.dma_semaphore, #tpu.memory_space<semaphore_mem>>) src(%dma_wait3A_111 : memref<3456xf32, #tpu.memory_space<hbm>>) dst(%dma_wait3A_110 : memref<3456xf32, #tpu.memory_space<vmem>>)
    %scan3A_112 = arith.constant 0 : i32
    %scan3A_113 = arith.constant 108 : i32
    %scan3A_114 = arith.constant 108 : i32
    %scan3A_115 = arith.addi %scan3A_113, %scan3A_114 : i32
    %scan3A_116 = arith.constant 1 : i32
    scf.for %scan3A_158 = %scan3A_113 to %scan3A_115 step %scan3A_116  : i32 {
      %mul3A_159 = arith.constant 2 : i32
      %mul3A_160 = arith.muli %scan3A_158, %mul3A_159 : i32
      %add3A_161 = arith.constant 0 : i32
      %add3A_162 = arith.addi %mul3A_160, %add3A_161 : i32
      %mul3A_163 = arith.constant 16 : i32
      %mul3A_164 = arith.muli %add3A_162, %mul3A_163 : i32
      %get3A = arith.index_cast %mul3A_164 : i32 to index
      %get3A_165 = tpu.vector_load %arg4[%get3A] {strides = array<i32>} : memref<6912xf32, #tpu.memory_space<vmem>>, vector<16xf32>,
      %get3A_166 = vector.shape_cast %get3A_165 : vector<16xf32> to vector<16xf32>
      %get3A_167 = arith.index_cast %mul3A_164 : i32 to index
      %get3A_168 = tpu.vector_load %arg5[%get3A_167] {strides = array<i32>} : memref<6912xf32, #tpu.memory_space<vmem>>, vector<16xf32>,
      %get3A_169 = vector.shape_cast %get3A_168 : vector<16xf32> to vector<16xf32>
      %min3A = arith.minimumf %get3A_166, %get3A_169 : vector<16xf32>
      %max3A = arith.maximumf %get3A_166, %get3A_169 : vector<16xf32>
      %sub3A_170 = arith.subf %max3A, %min3A : vector<16xf32>
      %mul3A_171 = arith.constant 6.250000e-02 : f32
      %mul3A_172 = vector.broadcast %mul3A_171 : f32 to vector<16xf32>
      %mul3A_173 = arith.mulf %sub3A_170, %mul3A_172 : vector<16xf32>
      %mul3A_174 = arith.constant 2.000000e+00 : f32
      %mul3A_175 = vector.broadcast %mul3A_174 : f32 to vector<16xf32>
      %mul3A_176 = arith.mulf %mul3A_175, %mul3A_173 : vector<16xf32>
      %sub3A_177 = arith.subf %min3A, %mul3A_176 : vector<16xf32>
      %max3A_178 = arith.constant 9.99999993E-9 : f32
      %max3A_179 = vector.broadcast %max3A_178 : f32 to vector<16xf32>
      %max3A_180 = arith.maximumf %mul3A_173, %max3A_179 : vector<16xf32>
      %div3A_181 = arith.constant 1.000000e+00 : f32
      %div3A_182 = vector.broadcast %div3A_181 : f32 to vector<16xf32>
      %div3A_183 = arith.divf %div3A_182, %max3A_180 : vector<16xf32>
      %sub3A_184 = arith.subf %get3A_166, %sub3A_177 : vector<16xf32>
      %mul3A_185 = arith.mulf %sub3A_184, %div3A_183 : vector<16xf32>
      %sub3A_186 = arith.subf %get3A_169, %sub3A_177 : vector<16xf32>
      %mul3A_187 = arith.mulf %sub3A_186, %div3A_183 : vector<16xf32>
      %convert_element_type3A = arith.fptosi %mul3A_185 : vector<16xf32> to vector<16xi32>
      %convert_element_type3A_188 = arith.sitofp %convert_element_type3A : vector<16xi32> to vector<16xf32>
      %convert_element_type3A_189 = arith.fptosi %mul3A_187 : vector<16xf32> to vector<16xi32>
      %convert_element_type3A_190 = arith.sitofp %convert_element_type3A_189 : vector<16xi32> to vector<16xf32>
      %sub3A_191 = arith.subf %mul3A_185, %convert_element_type3A_188 : vector<16xf32>
      %sub3A_192 = arith.subf %mul3A_187, %convert_element_type3A_190 : vector<16xf32>
      %broadcast_in_dim3A = arith.constant 0.000000e+00 : f32
      %broadcast_in_dim3A_193 = vector.broadcast %broadcast_in_dim3A : f32 to vector<16xf32>
      %mul3A_194 = arith.constant 5.000000e-01 : f32
      %mul3A_195 = vector.broadcast %mul3A_194 : f32 to vector<16xf32>
      %mul3A_196 = arith.mulf %mul3A_195, %sub3A_191 : vector<16xf32>
      %sub3A_197 = arith.constant 1.000000e+00 : f32
      %sub3A_198 = vector.broadcast %sub3A_197 : f32 to vector<16xf32>
      %sub3A_199 = arith.subf %mul3A_196, %sub3A_198 : vector<16xf32>
      %mul3A_200 = arith.mulf %sub3A_191, %sub3A_191 : vector<16xf32>
      %mul3A_201 = arith.mulf %sub3A_199, %mul3A_200 : vector<16xf32>
      %add3A_202 = arith.constant 0.666666686 : f32
      %add3A_203 = vector.broadcast %add3A_202 : f32 to vector<16xf32>
      %add3A_204 = arith.addf %mul3A_201, %add3A_203 : vector<16xf32>
      %mul3A_205 = arith.constant 5.000000e-01 : f32
      %mul3A_206 = vector.broadcast %mul3A_205 : f32 to vector<16xf32>
      %mul3A_207 = arith.mulf %mul3A_206, %sub3A_192 : vector<16xf32>
      %sub3A_208 = arith.constant 1.000000e+00 : f32
      %sub3A_209 = vector.broadcast %sub3A_208 : f32 to vector<16xf32>
      %sub3A_210 = arith.subf %mul3A_207, %sub3A_209 : vector<16xf32>
      %mul3A_211 = arith.mulf %sub3A_192, %sub3A_192 : vector<16xf32>
      %mul3A_212 = arith.mulf %sub3A_210, %mul3A_211 : vector<16xf32>
      %add3A_213 = arith.constant 0.666666686 : f32
      %add3A_214 = vector.broadcast %add3A_213 : f32 to vector<16xf32>
      %add3A_215 = arith.addf %mul3A_212, %add3A_214 : vector<16xf32>
      %ge3A = arith.constant 1.000000e+00 : f32
      %ge3A_216 = vector.broadcast %ge3A : f32 to vector<16xf32>
      %ge3A_217 = arith.cmpf oge, %convert_element_type3A_188, %ge3A_216 : vector<16xf32>
      %sub3A_218 = arith.subf %mul3A_187, %convert_element_type3A_188 : vector<16xf32>
      %abs3A = math.absf %sub3A_218 : vector<16xf32>
      %mul3A_219 = arith.constant 5.000000e-01 : f32
      %mul3A_220 = vector.broadcast %mul3A_219 : f32 to vector<16xf32>
      %mul3A_221 = arith.mulf %mul3A_220, %abs3A : vector<16xf32>
      %sub3A_222 = arith.constant 1.000000e+00 : f32
      %sub3A_223 = vector.broadcast %sub3A_222 : f32 to vector<16xf32>
      %sub3A_224 = arith.subf %mul3A_221, %sub3A_223 : vector<16xf32>
      %mul3A_225 = arith.mulf %abs3A, %abs3A : vector<16xf32>
      %mul3A_226 = arith.mulf %sub3A_224, %mul3A_225 : vector<16xf32>
      %add3A_227 = arith.constant 0.666666686 : f32
      %add3A_228 = vector.broadcast %add3A_227 : f32 to vector<16xf32>
      %add3A_229 = arith.addf %mul3A_226, %add3A_228 : vector<16xf32>
      %sub3A_230 = arith.constant 2.000000e+00 : f32
      %sub3A_231 = vector.broadcast %sub3A_230 : f32 to vector<16xf32>
      %sub3A_232 = arith.subf %sub3A_231, %abs3A : vector<16xf32>
      %max3A_233 = arith.constant 0.000000e+00 : f32
      %max3A_234 = vector.broadcast %max3A_233 : f32 to vector<16xf32>
      %max3A_235 = arith.maximumf %sub3A_232, %max3A_234 : vector<16xf32>
      %mul3A_236 = arith.mulf %max3A_235, %max3A_235 : vector<16xf32>
      %mul3A_237 = arith.mulf %mul3A_236, %max3A_235 : vector<16xf32>
      %mul3A_238 = arith.constant 0.166666672 : f32
      %mul3A_239 = vector.broadcast %mul3A_238 : f32 to vector<16xf32>
      %mul3A_240 = arith.mulf %mul3A_237, %mul3A_239 : vector<16xf32>
      %lt3A_241 = arith.constant 1.000000e+00 : f32
      %lt3A_242 = vector.broadcast %lt3A_241 : f32 to vector<16xf32>
      %lt3A_243 = arith.cmpf olt, %abs3A, %lt3A_242 : vector<16xf32>
      %select_n3A_244 = arith.select %lt3A_243, %add3A_229, %mul3A_240 : vector<16xi1>, vector<16xf32>
      %add3A_245 = arith.addf %add3A_204, %select_n3A_244 : vector<16xf32>
      %select_n3A_246 = arith.select %ge3A_217, %add3A_245, %broadcast_in_dim3A_193 : vector<16xi1>, vector<16xf32>
      %ge3A_247 = arith.constant 1.000000e+00 : f32
      %ge3A_248 = vector.broadcast %ge3A_247 : f32 to vector<16xf32>
      %ge3A_249 = arith.cmpf oge, %convert_element_type3A_190, %ge3A_248 : vector<16xf32>
      %sub3A_250 = arith.subf %mul3A_185, %convert_element_type3A_190 : vector<16xf32>
      %abs3A_251 = math.absf %sub3A_250 : vector<16xf32>
      %mul3A_252 = arith.constant 5.000000e-01 : f32
      %mul3A_253 = vector.broadcast %mul3A_252 : f32 to vector<16xf32>
      %mul3A_254 = arith.mulf %mul3A_253, %abs3A_251 : vector<16xf32>
      %sub3A_255 = arith.constant 1.000000e+00 : f32
      %sub3A_256 = vector.broadcast %sub3A_255 : f32 to vector<16xf32>
      %sub3A_257 = arith.subf %mul3A_254, %sub3A_256 : vector<16xf32>
      %mul3A_258 = arith.mulf %abs3A_251, %abs3A_251 : vector<16xf32>
      %mul3A_259 = arith.mulf %sub3A_257, %mul3A_258 : vector<16xf32>
      %add3A_260 = arith.constant 0.666666686 : f32
      %add3A_261 = vector.broadcast %add3A_260 : f32 to vector<16xf32>
      %add3A_262 = arith.addf %mul3A_259, %add3A_261 : vector<16xf32>
      %sub3A_263 = arith.constant 2.000000e+00 : f32
      %sub3A_264 = vector.broadcast %sub3A_263 : f32 to vector<16xf32>
      %sub3A_265 = arith.subf %sub3A_264, %abs3A_251 : vector<16xf32>
      %max3A_266 = arith.constant 0.000000e+00 : f32
      %max3A_267 = vector.broadcast %max3A_266 : f32 to vector<16xf32>
      %max3A_268 = arith.maximumf %sub3A_265, %max3A_267 : vector<16xf32>
      %mul3A_269 = arith.mulf %max3A_268, %max3A_268 : vector<16xf32>
      %mul3A_270 = arith.mulf %mul3A_269, %max3A_268 : vector<16xf32>
      %mul3A_271 = arith.constant 0.166666672 : f32
      %mul3A_272 = vector.broadcast %mul3A_271 : f32 to vector<16xf32>
      %mul3A_273 = arith.mulf %mul3A_270, %mul3A_272 : vector<16xf32>
      %lt3A_274 = arith.constant 1.000000e+00 : f32
      %lt3A_275 = vector.broadcast %lt3A_274 : f32 to vector<16xf32>
      %lt3A_276 = arith.cmpf olt, %abs3A_251, %lt3A_275 : vector<16xf32>
      %select_n3A_277 = arith.select %lt3A_276, %add3A_262, %mul3A_273 : vector<16xi1>, vector<16xf32>
      %add3A_278 = arith.addf %add3A_215, %select_n3A_277 : vector<16xf32>
      %select_n3A_279 = arith.select %ge3A_249, %add3A_278, %broadcast_in_dim3A_193 : vector<16xi1>, vector<16xf32>
      %sub3A_280 = arith.constant 2.000000e+00 : f32
      %sub3A_281 = vector.broadcast %sub3A_280 : f32 to vector<16xf32>
      %sub3A_282 = arith.subf %sub3A_281, %mul3A_185 : vector<16xf32>
      %max3A_283 = arith.constant 0.000000e+00 : f32
      %max3A_284 = vector.broadcast %max3A_283 : f32 to vector<16xf32>
      %max3A_285 = arith.maximumf %sub3A_282, %max3A_284 : vector<16xf32>
      %sub3A_286 = arith.constant 2.000000e+00 : f32
      %sub3A_287 = vector.broadcast %sub3A_286 : f32 to vector<16xf32>
      %sub3A_288 = arith.subf %sub3A_287, %mul3A_187 : vector<16xf32>
      %max3A_289 = arith.constant 0.000000e+00 : f32
      %max3A_290 = vector.broadcast %max3A_289 : f32 to vector<16xf32>
      %max3A_291 = arith.maximumf %sub3A_288, %max3A_290 : vector<16xf32>
      %sub3A_292 = arith.constant 1.000000e+00 : f32
      %sub3A_293 = vector.broadcast %sub3A_292 : f32 to vector<16xf32>
      %sub3A_294 = arith.subf %sub3A_293, %mul3A_185 : vector<16xf32>
      %max3A_295 = arith.constant 0.000000e+00 : f32
      %max3A_296 = vector.broadcast %max3A_295 : f32 to vector<16xf32>
      %max3A_297 = arith.maximumf %sub3A_294, %max3A_296 : vector<16xf32>
      %sub3A_298 = arith.constant 1.000000e+00 : f32
      %sub3A_299 = vector.broadcast %sub3A_298 : f32 to vector<16xf32>
      %sub3A_300 = arith.subf %sub3A_299, %mul3A_187 : vector<16xf32>
      %max3A_301 = arith.constant 0.000000e+00 : f32
      %max3A_302 = vector.broadcast %max3A_301 : f32 to vector<16xf32>
      %max3A_303 = arith.maximumf %sub3A_300, %max3A_302 : vector<16xf32>
      %mul3A_304 = arith.mulf %max3A_285, %max3A_285 : vector<16xf32>
      %mul3A_305 = arith.mulf %mul3A_304, %max3A_285 : vector<16xf32>
      %mul3A_306 = arith.mulf %max3A_291, %max3A_291 : vector<16xf32>
      %mul3A_307 = arith.mulf %mul3A_306, %max3A_291 : vector<16xf32>
      %add3A_308 = arith.addf %mul3A_305, %mul3A_307 : vector<16xf32>
      %mul3A_309 = arith.mulf %max3A_297, %max3A_297 : vector<16xf32>
      %mul3A_310 = arith.mulf %mul3A_309, %max3A_297 : vector<16xf32>
      %mul3A_311 = arith.mulf %max3A_303, %max3A_303 : vector<16xf32>
      %mul3A_312 = arith.mulf %mul3A_311, %max3A_303 : vector<16xf32>
      %add3A_313 = arith.addf %mul3A_310, %mul3A_312 : vector<16xf32>
      %mul3A_314 = arith.constant 0.166666672 : f32
      %mul3A_315 = vector.broadcast %mul3A_314 : f32 to vector<16xf32>
      %mul3A_316 = arith.mulf %add3A_308, %mul3A_315 : vector<16xf32>
      %sub3A_317 = arith.constant 2.000000e+00 : f32
      %sub3A_318 = vector.broadcast %sub3A_317 : f32 to vector<16xf32>
      %sub3A_319 = arith.subf %sub3A_318, %mul3A_316 : vector<16xf32>
      %mul3A_320 = arith.constant 5.000000e-01 : f32
      %mul3A_321 = vector.broadcast %mul3A_320 : f32 to vector<16xf32>
      %mul3A_322 = arith.mulf %add3A_313, %mul3A_321 : vector<16xf32>
      %add3A_323 = arith.addf %sub3A_319, %mul3A_322 : vector<16xf32>
      %max3A_324 = arith.constant 9.99999993E-9 : f32
      %max3A_325 = vector.broadcast %max3A_324 : f32 to vector<16xf32>
      %max3A_326 = arith.maximumf %add3A_323, %max3A_325 : vector<16xf32>
      %div3A_327 = arith.constant 1.000000e+00 : f32
      %div3A_328 = vector.broadcast %div3A_327 : f32 to vector<16xf32>
      %div3A_329 = arith.divf %div3A_328, %max3A_326 : vector<16xf32>
      %mul3A_330 = arith.mulf %select_n3A_246, %div3A_329 : vector<16xf32>
      %mul3A_331 = arith.mulf %select_n3A_279, %div3A_329 : vector<16xf32>
      %swap3A = arith.index_cast %mul3A_164 : i32 to index
      %swap3A_332 = tpu.vector_load %arg6[%swap3A] {strides = array<i32>} : memref<6912xf32, #tpu.memory_space<vmem>>, vector<16xf32>,
      %swap3A_333 = vector.shape_cast %swap3A_332 : vector<16xf32> to vector<16xf32>
      %swap3A_334 = vector.shape_cast %mul3A_330 : vector<16xf32> to vector<16xf32>
      tpu.vector_store %arg6[%swap3A], %swap3A_334 {strides = array<i32>} : memref<6912xf32, #tpu.memory_space<vmem>>, vector<16xf32>,
      %swap3A_335 = arith.index_cast %mul3A_164 : i32 to index
      %swap3A_336 = tpu.vector_load %arg7[%swap3A_335] {strides = array<i32>} : memref<6912xf32, #tpu.memory_space<vmem>>, vector<16xf32>,
      %swap3A_337 = vector.shape_cast %swap3A_336 : vector<16xf32> to vector<16xf32>
      %swap3A_338 = vector.shape_cast %mul3A_331 : vector<16xf32> to vector<16xf32>
      tpu.vector_store %arg7[%swap3A_335], %swap3A_338 {strides = array<i32>} : memref<6912xf32, #tpu.memory_space<vmem>>, vector<16xf32>,
      %mul3A_339 = arith.constant 2 : i32
      %mul3A_340 = arith.muli %scan3A_158, %mul3A_339 : i32
      %add3A_341 = arith.constant 1 : i32
      %add3A_342 = arith.addi %mul3A_340, %add3A_341 : i32
      %mul3A_343 = arith.constant 16 : i32
      %mul3A_344 = arith.muli %add3A_342, %mul3A_343 : i32
      %get3A_345 = arith.index_cast %mul3A_344 : i32 to index
      %get3A_346 = tpu.vector_load %arg4[%get3A_345] {strides = array<i32>} : memref<6912xf32, #tpu.memory_space<vmem>>, vector<16xf32>,
      %get3A_347 = vector.shape_cast %get3A_346 : vector<16xf32> to vector<16xf32>
      %get3A_348 = arith.index_cast %mul3A_344 : i32 to index
      %get3A_349 = tpu.vector_load %arg5[%get3A_348] {strides = array<i32>} : memref<6912xf32, #tpu.memory_space<vmem>>, vector<16xf32>,
      %get3A_350 = vector.shape_cast %get3A_349 : vector<16xf32> to vector<16xf32>
      %min3A_351 = arith.minimumf %get3A_347, %get3A_350 : vector<16xf32>
      %max3A_352 = arith.maximumf %get3A_347, %get3A_350 : vector<16xf32>
      %sub3A_353 = arith.subf %max3A_352, %min3A_351 : vector<16xf32>
      %mul3A_354 = arith.constant 6.250000e-02 : f32
      %mul3A_355 = vector.broadcast %mul3A_354 : f32 to vector<16xf32>
      %mul3A_356 = arith.mulf %sub3A_353, %mul3A_355 : vector<16xf32>
      %mul3A_357 = arith.constant 2.000000e+00 : f32
      %mul3A_358 = vector.broadcast %mul3A_357 : f32 to vector<16xf32>
      %mul3A_359 = arith.mulf %mul3A_358, %mul3A_356 : vector<16xf32>
      %sub3A_360 = arith.subf %min3A_351, %mul3A_359 : vector<16xf32>
      %max3A_361 = arith.constant 9.99999993E-9 : f32
      %max3A_362 = vector.broadcast %max3A_361 : f32 to vector<16xf32>
      %max3A_363 = arith.maximumf %mul3A_356, %max3A_362 : vector<16xf32>
      %div3A_364 = arith.constant 1.000000e+00 : f32
      %div3A_365 = vector.broadcast %div3A_364 : f32 to vector<16xf32>
      %div3A_366 = arith.divf %div3A_365, %max3A_363 : vector<16xf32>
      %sub3A_367 = arith.subf %get3A_347, %sub3A_360 : vector<16xf32>
      %mul3A_368 = arith.mulf %sub3A_367, %div3A_366 : vector<16xf32>
      %sub3A_369 = arith.subf %get3A_350, %sub3A_360 : vector<16xf32>
      %mul3A_370 = arith.mulf %sub3A_369, %div3A_366 : vector<16xf32>
      %convert_element_type3A_371 = arith.fptosi %mul3A_368 : vector<16xf32> to vector<16xi32>
      %convert_element_type3A_372 = arith.sitofp %convert_element_type3A_371 : vector<16xi32> to vector<16xf32>
      %convert_element_type3A_373 = arith.fptosi %mul3A_370 : vector<16xf32> to vector<16xi32>
      %convert_element_type3A_374 = arith.sitofp %convert_element_type3A_373 : vector<16xi32> to vector<16xf32>
      %sub3A_375 = arith.subf %mul3A_368, %convert_element_type3A_372 : vector<16xf32>
      %sub3A_376 = arith.subf %mul3A_370, %convert_element_type3A_374 : vector<16xf32>
      %broadcast_in_dim3A_377 = arith.constant 0.000000e+00 : f32
      %broadcast_in_dim3A_378 = vector.broadcast %broadcast_in_dim3A_377 : f32 to vector<16xf32>
      %mul3A_379 = arith.constant 5.000000e-01 : f32
      %mul3A_380 = vector.broadcast %mul3A_379 : f32 to vector<16xf32>
      %mul3A_381 = arith.mulf %mul3A_380, %sub3A_375 : vector<16xf32>
      %sub3A_382 = arith.constant 1.000000e+00 : f32
      %sub3A_383 = vector.broadcast %sub3A_382 : f32 to vector<16xf32>
      %sub3A_384 = arith.subf %mul3A_381, %sub3A_383 : vector<16xf32>
      %mul3A_385 = arith.mulf %sub3A_375, %sub3A_375 : vector<16xf32>
      %mul3A_386 = arith.mulf %sub3A_384, %mul3A_385 : vector<16xf32>
      %add3A_387 = arith.constant 0.666666686 : f32
      %add3A_388 = vector.broadcast %add3A_387 : f32 to vector<16xf32>
      %add3A_389 = arith.addf %mul3A_386, %add3A_388 : vector<16xf32>
      %mul3A_390 = arith.constant 5.000000e-01 : f32
      %mul3A_391 = vector.broadcast %mul3A_390 : f32 to vector<16xf32>
      %mul3A_392 = arith.mulf %mul3A_391, %sub3A_376 : vector<16xf32>
      %sub3A_393 = arith.constant 1.000000e+00 : f32
      %sub3A_394 = vector.broadcast %sub3A_393 : f32 to vector<16xf32>
      %sub3A_395 = arith.subf %mul3A_392, %sub3A_394 : vector<16xf32>
      %mul3A_396 = arith.mulf %sub3A_376, %sub3A_376 : vector<16xf32>
      %mul3A_397 = arith.mulf %sub3A_395, %mul3A_396 : vector<16xf32>
      %add3A_398 = arith.constant 0.666666686 : f32
      %add3A_399 = vector.broadcast %add3A_398 : f32 to vector<16xf32>
      %add3A_400 = arith.addf %mul3A_397, %add3A_399 : vector<16xf32>
      %ge3A_401 = arith.constant 1.000000e+00 : f32
      %ge3A_402 = vector.broadcast %ge3A_401 : f32 to vector<16xf32>
      %ge3A_403 = arith.cmpf oge, %convert_element_type3A_372, %ge3A_402 : vector<16xf32>
      %sub3A_404 = arith.subf %mul3A_370, %convert_element_type3A_372 : vector<16xf32>
      %abs3A_405 = math.absf %sub3A_404 : vector<16xf32>
      %mul3A_406 = arith.constant 5.000000e-01 : f32
      %mul3A_407 = vector.broadcast %mul3A_406 : f32 to vector<16xf32>
      %mul3A_408 = arith.mulf %mul3A_407, %abs3A_405 : vector<16xf32>
      %sub3A_409 = arith.constant 1.000000e+00 : f32
      %sub3A_410 = vector.broadcast %sub3A_409 : f32 to vector<16xf32>
      %sub3A_411 = arith.subf %mul3A_408, %sub3A_410 : vector<16xf32>
      %mul3A_412 = arith.mulf %abs3A_405, %abs3A_405 : vector<16xf32>
      %mul3A_413 = arith.mulf %sub3A_411, %mul3A_412 : vector<16xf32>
      %add3A_414 = arith.constant 0.666666686 : f32
      %add3A_415 = vector.broadcast %add3A_414 : f32 to vector<16xf32>
      %add3A_416 = arith.addf %mul3A_413, %add3A_415 : vector<16xf32>
      %sub3A_417 = arith.constant 2.000000e+00 : f32
      %sub3A_418 = vector.broadcast %sub3A_417 : f32 to vector<16xf32>
      %sub3A_419 = arith.subf %sub3A_418, %abs3A_405 : vector<16xf32>
      %max3A_420 = arith.constant 0.000000e+00 : f32
      %max3A_421 = vector.broadcast %max3A_420 : f32 to vector<16xf32>
      %max3A_422 = arith.maximumf %sub3A_419, %max3A_421 : vector<16xf32>
      %mul3A_423 = arith.mulf %max3A_422, %max3A_422 : vector<16xf32>
      %mul3A_424 = arith.mulf %mul3A_423, %max3A_422 : vector<16xf32>
      %mul3A_425 = arith.constant 0.166666672 : f32
      %mul3A_426 = vector.broadcast %mul3A_425 : f32 to vector<16xf32>
      %mul3A_427 = arith.mulf %mul3A_424, %mul3A_426 : vector<16xf32>
      %lt3A_428 = arith.constant 1.000000e+00 : f32
      %lt3A_429 = vector.broadcast %lt3A_428 : f32 to vector<16xf32>
      %lt3A_430 = arith.cmpf olt, %abs3A_405, %lt3A_429 : vector<16xf32>
      %select_n3A_431 = arith.select %lt3A_430, %add3A_416, %mul3A_427 : vector<16xi1>, vector<16xf32>
      %add3A_432 = arith.addf %add3A_389, %select_n3A_431 : vector<16xf32>
      %select_n3A_433 = arith.select %ge3A_403, %add3A_432, %broadcast_in_dim3A_378 : vector<16xi1>, vector<16xf32>
      %ge3A_434 = arith.constant 1.000000e+00 : f32
      %ge3A_435 = vector.broadcast %ge3A_434 : f32 to vector<16xf32>
      %ge3A_436 = arith.cmpf oge, %convert_element_type3A_374, %ge3A_435 : vector<16xf32>
      %sub3A_437 = arith.subf %mul3A_368, %convert_element_type3A_374 : vector<16xf32>
      %abs3A_438 = math.absf %sub3A_437 : vector<16xf32>
      %mul3A_439 = arith.constant 5.000000e-01 : f32
      %mul3A_440 = vector.broadcast %mul3A_439 : f32 to vector<16xf32>
      %mul3A_441 = arith.mulf %mul3A_440, %abs3A_438 : vector<16xf32>
      %sub3A_442 = arith.constant 1.000000e+00 : f32
      %sub3A_443 = vector.broadcast %sub3A_442 : f32 to vector<16xf32>
      %sub3A_444 = arith.subf %mul3A_441, %sub3A_443 : vector<16xf32>
      %mul3A_445 = arith.mulf %abs3A_438, %abs3A_438 : vector<16xf32>
      %mul3A_446 = arith.mulf %sub3A_444, %mul3A_445 : vector<16xf32>
      %add3A_447 = arith.constant 0.666666686 : f32
      %add3A_448 = vector.broadcast %add3A_447 : f32 to vector<16xf32>
      %add3A_449 = arith.addf %mul3A_446, %add3A_448 : vector<16xf32>
      %sub3A_450 = arith.constant 2.000000e+00 : f32
      %sub3A_451 = vector.broadcast %sub3A_450 : f32 to vector<16xf32>
      %sub3A_452 = arith.subf %sub3A_451, %abs3A_438 : vector<16xf32>
      %max3A_453 = arith.constant 0.000000e+00 : f32
      %max3A_454 = vector.broadcast %max3A_453 : f32 to vector<16xf32>
      %max3A_455 = arith.maximumf %sub3A_452, %max3A_454 : vector<16xf32>
      %mul3A_456 = arith.mulf %max3A_455, %max3A_455 : vector<16xf32>
      %mul3A_457 = arith.mulf %mul3A_456, %max3A_455 : vector<16xf32>
      %mul3A_458 = arith.constant 0.166666672 : f32
      %mul3A_459 = vector.broadcast %mul3A_458 : f32 to vector<16xf32>
      %mul3A_460 = arith.mulf %mul3A_457, %mul3A_459 : vector<16xf32>
      %lt3A_461 = arith.constant 1.000000e+00 : f32
      %lt3A_462 = vector.broadcast %lt3A_461 : f32 to vector<16xf32>
      %lt3A_463 = arith.cmpf olt, %abs3A_438, %lt3A_462 : vector<16xf32>
      %select_n3A_464 = arith.select %lt3A_463, %add3A_449, %mul3A_460 : vector<16xi1>, vector<16xf32>
      %add3A_465 = arith.addf %add3A_400, %select_n3A_464 : vector<16xf32>
      %select_n3A_466 = arith.select %ge3A_436, %add3A_465, %broadcast_in_dim3A_378 : vector<16xi1>, vector<16xf32>
      %sub3A_467 = arith.constant 2.000000e+00 : f32
      %sub3A_468 = vector.broadcast %sub3A_467 : f32 to vector<16xf32>
      %sub3A_469 = arith.subf %sub3A_468, %mul3A_368 : vector<16xf32>
      %max3A_470 = arith.constant 0.000000e+00 : f32
      %max3A_471 = vector.broadcast %max3A_470 : f32 to vector<16xf32>
      %max3A_472 = arith.maximumf %sub3A_469, %max3A_471 : vector<16xf32>
      %sub3A_473 = arith.constant 2.000000e+00 : f32
      %sub3A_474 = vector.broadcast %sub3A_473 : f32 to vector<16xf32>
      %sub3A_475 = arith.subf %sub3A_474, %mul3A_370 : vector<16xf32>
      %max3A_476 = arith.constant 0.000000e+00 : f32
      %max3A_477 = vector.broadcast %max3A_476 : f32 to vector<16xf32>
      %max3A_478 = arith.maximumf %sub3A_475, %max3A_477 : vector<16xf32>
      %sub3A_479 = arith.constant 1.000000e+00 : f32
      %sub3A_480 = vector.broadcast %sub3A_479 : f32 to vector<16xf32>
      %sub3A_481 = arith.subf %sub3A_480, %mul3A_368 : vector<16xf32>
      %max3A_482 = arith.constant 0.000000e+00 : f32
      %max3A_483 = vector.broadcast %max3A_482 : f32 to vector<16xf32>
      %max3A_484 = arith.maximumf %sub3A_481, %max3A_483 : vector<16xf32>
      %sub3A_485 = arith.constant 1.000000e+00 : f32
      %sub3A_486 = vector.broadcast %sub3A_485 : f32 to vector<16xf32>
      %sub3A_487 = arith.subf %sub3A_486, %mul3A_370 : vector<16xf32>
      %max3A_488 = arith.constant 0.000000e+00 : f32
      %max3A_489 = vector.broadcast %max3A_488 : f32 to vector<16xf32>
      %max3A_490 = arith.maximumf %sub3A_487, %max3A_489 : vector<16xf32>
      %mul3A_491 = arith.mulf %max3A_472, %max3A_472 : vector<16xf32>
      %mul3A_492 = arith.mulf %mul3A_491, %max3A_472 : vector<16xf32>
      %mul3A_493 = arith.mulf %max3A_478, %max3A_478 : vector<16xf32>
      %mul3A_494 = arith.mulf %mul3A_493, %max3A_478 : vector<16xf32>
      %add3A_495 = arith.addf %mul3A_492, %mul3A_494 : vector<16xf32>
      %mul3A_496 = arith.mulf %max3A_484, %max3A_484 : vector<16xf32>
      %mul3A_497 = arith.mulf %mul3A_496, %max3A_484 : vector<16xf32>
      %mul3A_498 = arith.mulf %max3A_490, %max3A_490 : vector<16xf32>
      %mul3A_499 = arith.mulf %mul3A_498, %max3A_490 : vector<16xf32>
      %add3A_500 = arith.addf %mul3A_497, %mul3A_499 : vector<16xf32>
      %mul3A_501 = arith.constant 0.166666672 : f32
      %mul3A_502 = vector.broadcast %mul3A_501 : f32 to vector<16xf32>
      %mul3A_503 = arith.mulf %add3A_495, %mul3A_502 : vector<16xf32>
      %sub3A_504 = arith.constant 2.000000e+00 : f32
      %sub3A_505 = vector.broadcast %sub3A_504 : f32 to vector<16xf32>
      %sub3A_506 = arith.subf %sub3A_505, %mul3A_503 : vector<16xf32>
      %mul3A_507 = arith.constant 5.000000e-01 : f32
      %mul3A_508 = vector.broadcast %mul3A_507 : f32 to vector<16xf32>
      %mul3A_509 = arith.mulf %add3A_500, %mul3A_508 : vector<16xf32>
      %add3A_510 = arith.addf %sub3A_506, %mul3A_509 : vector<16xf32>
      %max3A_511 = arith.constant 9.99999993E-9 : f32
      %max3A_512 = vector.broadcast %max3A_511 : f32 to vector<16xf32>
      %max3A_513 = arith.maximumf %add3A_510, %max3A_512 : vector<16xf32>
      %div3A_514 = arith.constant 1.000000e+00 : f32
      %div3A_515 = vector.broadcast %div3A_514 : f32 to vector<16xf32>
      %div3A_516 = arith.divf %div3A_515, %max3A_513 : vector<16xf32>
      %mul3A_517 = arith.mulf %select_n3A_433, %div3A_516 : vector<16xf32>
      %mul3A_518 = arith.mulf %select_n3A_466, %div3A_516 : vector<16xf32>
      %swap3A_519 = arith.index_cast %mul3A_344 : i32 to index
      %swap3A_520 = tpu.vector_load %arg6[%swap3A_519] {strides = array<i32>} : memref<6912xf32, #tpu.memory_space<vmem>>, vector<16xf32>,
      %swap3A_521 = vector.shape_cast %swap3A_520 : vector<16xf32> to vector<16xf32>
      %swap3A_522 = vector.shape_cast %mul3A_517 : vector<16xf32> to vector<16xf32>
      tpu.vector_store %arg6[%swap3A_519], %swap3A_522 {strides = array<i32>} : memref<6912xf32, #tpu.memory_space<vmem>>, vector<16xf32>,
      %swap3A_523 = arith.index_cast %mul3A_344 : i32 to index
      %swap3A_524 = tpu.vector_load %arg7[%swap3A_523] {strides = array<i32>} : memref<6912xf32, #tpu.memory_space<vmem>>, vector<16xf32>,
      %swap3A_525 = vector.shape_cast %swap3A_524 : vector<16xf32> to vector<16xf32>
      %swap3A_526 = vector.shape_cast %mul3A_518 : vector<16xf32> to vector<16xf32>
      tpu.vector_store %arg7[%swap3A_523], %swap3A_526 {strides = array<i32>} : memref<6912xf32, #tpu.memory_space<vmem>>, vector<16xf32>,
    }
    %scan3A_117 = arith.constant 108 : i32
    %add3A_118 = arith.constant 3456 : i32
    %add3A_119 = arith.addi %add3A_42, %add3A_118 : i32
    %dma_start3A_120 = arith.constant 3456 : i32
    %dma_start3A_121 = tpu.memref_slice %arg6[%dma_start3A_120] : memref<6912xf32, #tpu.memory_space<vmem>> -> memref<3456xf32, #tpu.memory_space<vmem>>
    %dma_start3A_122 = tpu.memref_slice %arg3[%add3A_119] : memref<442368xf32, #tpu.memory_space<hbm>> -> memref<3456xf32, #tpu.memory_space<hbm>>
    %dma_start3A_123 = tpu.memref_slice %arg3[%add3A_119] : memref<442368xf32, #tpu.memory_space<hbm>> -> memref<3456xf32, #tpu.memory_space<hbm>>
    %dma_start3A_124 = arith.constant 3456 : i32
    %dma_start3A_125 = tpu.memref_slice %arg6[%dma_start3A_124] : memref<6912xf32, #tpu.memory_space<vmem>> -> memref<3456xf32, #tpu.memory_space<vmem>>
    tpu.enqueue_dma source(%dma_start3A_125 : memref<3456xf32, #tpu.memory_space<vmem>>) target(%dma_start3A_123 : memref<3456xf32, #tpu.memory_space<hbm>>) target_semaphore(%arg10 : memref<!tpu.dma_semaphore, #tpu.memory_space<semaphore_mem>>)
    %add3A_126 = arith.constant 3456 : i32
    %add3A_127 = arith.addi %add3A_44, %add3A_126 : i32
    %dma_start3A_128 = arith.constant 3456 : i32
    %dma_start3A_129 = tpu.memref_slice %arg7[%dma_start3A_128] : memref<6912xf32, #tpu.memory_space<vmem>> -> memref<3456xf32, #tpu.memory_space<vmem>>
    %dma_start3A_130 = tpu.memref_slice %arg3[%add3A_127] : memref<442368xf32, #tpu.memory_space<hbm>> -> memref<3456xf32, #tpu.memory_space<hbm>>
    %dma_start3A_131 = tpu.memref_slice %arg3[%add3A_127] : memref<442368xf32, #tpu.memory_space<hbm>> -> memref<3456xf32, #tpu.memory_space<hbm>>
    %dma_start3A_132 = arith.constant 3456 : i32
    %dma_start3A_133 = tpu.memref_slice %arg7[%dma_start3A_132] : memref<6912xf32, #tpu.memory_space<vmem>> -> memref<3456xf32, #tpu.memory_space<vmem>>
    tpu.enqueue_dma source(%dma_start3A_133 : memref<3456xf32, #tpu.memory_space<vmem>>) target(%dma_start3A_131 : memref<3456xf32, #tpu.memory_space<hbm>>) target_semaphore(%arg10 : memref<!tpu.dma_semaphore, #tpu.memory_space<semaphore_mem>>)
    %dma_wait3A_134 = arith.constant 0 : i32
    %dma_wait3A_135 = tpu.memref_slice %arg6[%dma_wait3A_134] : memref<6912xf32, #tpu.memory_space<vmem>> -> memref<3456xf32, #tpu.memory_space<vmem>>
    %dma_wait3A_136 = tpu.memref_slice %arg3[%add3A_42] : memref<442368xf32, #tpu.memory_space<hbm>> -> memref<3456xf32, #tpu.memory_space<hbm>>
    %dma_wait3A_137 = tpu.memref_slice %arg3[%add3A_42] : memref<442368xf32, #tpu.memory_space<hbm>> -> memref<3456xf32, #tpu.memory_space<hbm>>
    %dma_wait3A_138 = arith.constant 0 : i32
    %dma_wait3A_139 = tpu.memref_slice %arg6[%dma_wait3A_138] : memref<6912xf32, #tpu.memory_space<vmem>> -> memref<3456xf32, #tpu.memory_space<vmem>>
    tpu.wait_dma2 semaphore(%arg10 : memref<!tpu.dma_semaphore, #tpu.memory_space<semaphore_mem>>) src(%dma_wait3A_139 : memref<3456xf32, #tpu.memory_space<vmem>>) dst(%dma_wait3A_137 : memref<3456xf32, #tpu.memory_space<hbm>>)
    %dma_wait3A_140 = arith.constant 0 : i32
    %dma_wait3A_141 = tpu.memref_slice %arg7[%dma_wait3A_140] : memref<6912xf32, #tpu.memory_space<vmem>> -> memref<3456xf32, #tpu.memory_space<vmem>>
    %dma_wait3A_142 = tpu.memref_slice %arg3[%add3A_44] : memref<442368xf32, #tpu.memory_space<hbm>> -> memref<3456xf32, #tpu.memory_space<hbm>>
    %dma_wait3A_143 = tpu.memref_slice %arg3[%add3A_44] : memref<442368xf32, #tpu.memory_space<hbm>> -> memref<3456xf32, #tpu.memory_space<hbm>>
    %dma_wait3A_144 = arith.constant 0 : i32
    %dma_wait3A_145 = tpu.memref_slice %arg7[%dma_wait3A_144] : memref<6912xf32, #tpu.memory_space<vmem>> -> memref<3456xf32, #tpu.memory_space<vmem>>
    tpu.wait_dma2 semaphore(%arg10 : memref<!tpu.dma_semaphore, #tpu.memory_space<semaphore_mem>>) src(%dma_wait3A_145 : memref<3456xf32, #tpu.memory_space<vmem>>) dst(%dma_wait3A_143 : memref<3456xf32, #tpu.memory_space<hbm>>)
    %dma_wait3A_146 = arith.constant 3456 : i32
    %dma_wait3A_147 = tpu.memref_slice %arg6[%dma_wait3A_146] : memref<6912xf32, #tpu.memory_space<vmem>> -> memref<3456xf32, #tpu.memory_space<vmem>>
    %dma_wait3A_148 = tpu.memref_slice %arg3[%add3A_119] : memref<442368xf32, #tpu.memory_space<hbm>> -> memref<3456xf32, #tpu.memory_space<hbm>>
    %dma_wait3A_149 = tpu.memref_slice %arg3[%add3A_119] : memref<442368xf32, #tpu.memory_space<hbm>> -> memref<3456xf32, #tpu.memory_space<hbm>>
    %dma_wait3A_150 = arith.constant 3456 : i32
    %dma_wait3A_151 = tpu.memref_slice %arg6[%dma_wait3A_150] : memref<6912xf32, #tpu.memory_space<vmem>> -> memref<3456xf32, #tpu.memory_space<vmem>>
    tpu.wait_dma2 semaphore(%arg10 : memref<!tpu.dma_semaphore, #tpu.memory_space<semaphore_mem>>) src(%dma_wait3A_151 : memref<3456xf32, #tpu.memory_space<vmem>>) dst(%dma_wait3A_149 : memref<3456xf32, #tpu.memory_space<hbm>>)
    %dma_wait3A_152 = arith.constant 3456 : i32
    %dma_wait3A_153 = tpu.memref_slice %arg7[%dma_wait3A_152] : memref<6912xf32, #tpu.memory_space<vmem>> -> memref<3456xf32, #tpu.memory_space<vmem>>
    %dma_wait3A_154 = tpu.memref_slice %arg3[%add3A_127] : memref<442368xf32, #tpu.memory_space<hbm>> -> memref<3456xf32, #tpu.memory_space<hbm>>
    %dma_wait3A_155 = tpu.memref_slice %arg3[%add3A_127] : memref<442368xf32, #tpu.memory_space<hbm>> -> memref<3456xf32, #tpu.memory_space<hbm>>
    %dma_wait3A_156 = arith.constant 3456 : i32
    %dma_wait3A_157 = tpu.memref_slice %arg7[%dma_wait3A_156] : memref<6912xf32, #tpu.memory_space<vmem>> -> memref<3456xf32, #tpu.memory_space<vmem>>
    tpu.wait_dma2 semaphore(%arg10 : memref<!tpu.dma_semaphore, #tpu.memory_space<semaphore_mem>>) src(%dma_wait3A_157 : memref<3456xf32, #tpu.memory_space<vmem>>) dst(%dma_wait3A_155 : memref<3456xf32, #tpu.memory_space<hbm>>)
    return
  }
}

module attributes {stable_mosaic.version = 14 : i64} {
  func.func @_tc_body(%arg0: i32, %arg1: memref<1x2x720x128xf32, #tpu.memory_space<vmem>>, %arg2: memref<1x2x720x128xf32, #tpu.memory_space<vmem>>) attributes {dimension_semantics = [#tpu.dimension_semantics<arbitrary>], iteration_bounds = array<i64: 4>, scalar_prefetch = 0 : i64, scratch_operands = 0 : i64, tpu.core_type = #tpu.core_type<tc>, window_params = [{transform_indices = @transform_0, window_bounds = array<i64: 1, 2, 720, 128>}, {transform_indices = @transform_1, window_bounds = array<i64: 1, 2, 720, 128>}]} {
    %get3A = arith.constant 0 : index
    %get3A_0 = arith.constant 0 : index
    %get3A_1 = arith.constant 0 : index
    %get3A_2 = arith.constant 0 : index
    %get3A_3 = vector.load %arg1[%get3A, %get3A_0, %get3A_1, %get3A_2] : memref<1x2x720x128xf32, #tpu.memory_space<vmem>>, vector<1x1x720x128xf32>
    %get3A_4 = vector.shape_cast %get3A_3 : vector<1x1x720x128xf32> to vector<720x128xf32>
    %get3A_5 = arith.constant 0 : index
    %get3A_6 = arith.constant 1 : index
    %get3A_7 = arith.constant 0 : index
    %get3A_8 = arith.constant 0 : index
    %get3A_9 = vector.load %arg1[%get3A_5, %get3A_6, %get3A_7, %get3A_8] : memref<1x2x720x128xf32, #tpu.memory_space<vmem>>, vector<1x1x720x128xf32>
    %get3A_10 = vector.shape_cast %get3A_9 : vector<1x1x720x128xf32> to vector<720x128xf32>
    %min3A = arith.minimumf %get3A_4, %get3A_10 : vector<720x128xf32>
    %max3A = arith.maximumf %get3A_4, %get3A_10 : vector<720x128xf32>
    %sub3A = arith.subf %max3A, %min3A : vector<720x128xf32>
    %mul3A = arith.constant 6.250000e-02 : f32
    %mul3A_11 = vector.broadcast %mul3A : f32 to vector<720x128xf32>
    %mul3A_12 = arith.mulf %sub3A, %mul3A_11 : vector<720x128xf32>
    %mul3A_13 = arith.constant 2.000000e+00 : f32
    %mul3A_14 = vector.broadcast %mul3A_13 : f32 to vector<720x128xf32>
    %mul3A_15 = arith.mulf %mul3A_14, %mul3A_12 : vector<720x128xf32>
    %sub3A_16 = arith.subf %min3A, %mul3A_15 : vector<720x128xf32>
    %max3A_17 = arith.constant 9.99999993E-9 : f32
    %max3A_18 = vector.broadcast %max3A_17 : f32 to vector<720x128xf32>
    %max3A_19 = arith.maximumf %mul3A_12, %max3A_18 : vector<720x128xf32>
    %div3A = arith.constant 1.000000e+00 : f32
    %div3A_20 = vector.broadcast %div3A : f32 to vector<720x128xf32>
    %div3A_21 = arith.divf %div3A_20, %max3A_19 : vector<720x128xf32>
    %sub3A_22 = arith.subf %get3A_4, %sub3A_16 : vector<720x128xf32>
    %mul3A_23 = arith.mulf %sub3A_22, %div3A_21 : vector<720x128xf32>
    %sub3A_24 = arith.subf %get3A_10, %sub3A_16 : vector<720x128xf32>
    %mul3A_25 = arith.mulf %sub3A_24, %div3A_21 : vector<720x128xf32>
    %convert_element_type3A = arith.fptosi %mul3A_23 : vector<720x128xf32> to vector<720x128xi32>
    %convert_element_type3A_26 = arith.sitofp %convert_element_type3A : vector<720x128xi32> to vector<720x128xf32>
    %convert_element_type3A_27 = arith.fptosi %mul3A_25 : vector<720x128xf32> to vector<720x128xi32>
    %convert_element_type3A_28 = arith.sitofp %convert_element_type3A_27 : vector<720x128xi32> to vector<720x128xf32>
    %sub3A_29 = arith.subf %mul3A_23, %convert_element_type3A_26 : vector<720x128xf32>
    %sub3A_30 = arith.subf %mul3A_25, %convert_element_type3A_28 : vector<720x128xf32>
    %broadcast_in_dim3A = arith.constant 0.000000e+00 : f32
    %broadcast_in_dim3A_31 = vector.broadcast %broadcast_in_dim3A : f32 to vector<720x128xf32>
    %mul3A_32 = arith.constant 5.000000e-01 : f32
    %mul3A_33 = vector.broadcast %mul3A_32 : f32 to vector<720x128xf32>
    %mul3A_34 = arith.mulf %mul3A_33, %sub3A_29 : vector<720x128xf32>
    %sub3A_35 = arith.constant 1.000000e+00 : f32
    %sub3A_36 = vector.broadcast %sub3A_35 : f32 to vector<720x128xf32>
    %sub3A_37 = arith.subf %mul3A_34, %sub3A_36 : vector<720x128xf32>
    %mul3A_38 = arith.mulf %sub3A_29, %sub3A_29 : vector<720x128xf32>
    %mul3A_39 = arith.mulf %sub3A_37, %mul3A_38 : vector<720x128xf32>
    %add3A = arith.constant 0.666666686 : f32
    %add3A_40 = vector.broadcast %add3A : f32 to vector<720x128xf32>
    %add3A_41 = arith.addf %mul3A_39, %add3A_40 : vector<720x128xf32>
    %mul3A_42 = arith.constant 5.000000e-01 : f32
    %mul3A_43 = vector.broadcast %mul3A_42 : f32 to vector<720x128xf32>
    %mul3A_44 = arith.mulf %mul3A_43, %sub3A_30 : vector<720x128xf32>
    %sub3A_45 = arith.constant 1.000000e+00 : f32
    %sub3A_46 = vector.broadcast %sub3A_45 : f32 to vector<720x128xf32>
    %sub3A_47 = arith.subf %mul3A_44, %sub3A_46 : vector<720x128xf32>
    %mul3A_48 = arith.mulf %sub3A_30, %sub3A_30 : vector<720x128xf32>
    %mul3A_49 = arith.mulf %sub3A_47, %mul3A_48 : vector<720x128xf32>
    %add3A_50 = arith.constant 0.666666686 : f32
    %add3A_51 = vector.broadcast %add3A_50 : f32 to vector<720x128xf32>
    %add3A_52 = arith.addf %mul3A_49, %add3A_51 : vector<720x128xf32>
    %ge3A = arith.constant 1.000000e+00 : f32
    %ge3A_53 = vector.broadcast %ge3A : f32 to vector<720x128xf32>
    %ge3A_54 = arith.cmpf oge, %convert_element_type3A_26, %ge3A_53 : vector<720x128xf32>
    %sub3A_55 = arith.subf %mul3A_25, %convert_element_type3A_26 : vector<720x128xf32>
    %abs3A = math.absf %sub3A_55 : vector<720x128xf32>
    %mul3A_56 = arith.constant 5.000000e-01 : f32
    %mul3A_57 = vector.broadcast %mul3A_56 : f32 to vector<720x128xf32>
    %mul3A_58 = arith.mulf %mul3A_57, %abs3A : vector<720x128xf32>
    %sub3A_59 = arith.constant 1.000000e+00 : f32
    %sub3A_60 = vector.broadcast %sub3A_59 : f32 to vector<720x128xf32>
    %sub3A_61 = arith.subf %mul3A_58, %sub3A_60 : vector<720x128xf32>
    %mul3A_62 = arith.mulf %abs3A, %abs3A : vector<720x128xf32>
    %mul3A_63 = arith.mulf %sub3A_61, %mul3A_62 : vector<720x128xf32>
    %add3A_64 = arith.constant 0.666666686 : f32
    %add3A_65 = vector.broadcast %add3A_64 : f32 to vector<720x128xf32>
    %add3A_66 = arith.addf %mul3A_63, %add3A_65 : vector<720x128xf32>
    %sub3A_67 = arith.constant 2.000000e+00 : f32
    %sub3A_68 = vector.broadcast %sub3A_67 : f32 to vector<720x128xf32>
    %sub3A_69 = arith.subf %sub3A_68, %abs3A : vector<720x128xf32>
    %max3A_70 = arith.constant 0.000000e+00 : f32
    %max3A_71 = vector.broadcast %max3A_70 : f32 to vector<720x128xf32>
    %max3A_72 = arith.maximumf %sub3A_69, %max3A_71 : vector<720x128xf32>
    %mul3A_73 = arith.mulf %max3A_72, %max3A_72 : vector<720x128xf32>
    %mul3A_74 = arith.mulf %mul3A_73, %max3A_72 : vector<720x128xf32>
    %mul3A_75 = arith.constant 0.166666672 : f32
    %mul3A_76 = vector.broadcast %mul3A_75 : f32 to vector<720x128xf32>
    %mul3A_77 = arith.mulf %mul3A_74, %mul3A_76 : vector<720x128xf32>
    %lt3A = arith.constant 1.000000e+00 : f32
    %lt3A_78 = vector.broadcast %lt3A : f32 to vector<720x128xf32>
    %lt3A_79 = arith.cmpf olt, %abs3A, %lt3A_78 : vector<720x128xf32>
    %select_n3A = arith.select %lt3A_79, %add3A_66, %mul3A_77 : vector<720x128xi1>, vector<720x128xf32>
    %add3A_80 = arith.addf %add3A_41, %select_n3A : vector<720x128xf32>
    %select_n3A_81 = arith.select %ge3A_54, %add3A_80, %broadcast_in_dim3A_31 : vector<720x128xi1>, vector<720x128xf32>
    %ge3A_82 = arith.constant 1.000000e+00 : f32
    %ge3A_83 = vector.broadcast %ge3A_82 : f32 to vector<720x128xf32>
    %ge3A_84 = arith.cmpf oge, %convert_element_type3A_28, %ge3A_83 : vector<720x128xf32>
    %sub3A_85 = arith.subf %mul3A_23, %convert_element_type3A_28 : vector<720x128xf32>
    %abs3A_86 = math.absf %sub3A_85 : vector<720x128xf32>
    %mul3A_87 = arith.constant 5.000000e-01 : f32
    %mul3A_88 = vector.broadcast %mul3A_87 : f32 to vector<720x128xf32>
    %mul3A_89 = arith.mulf %mul3A_88, %abs3A_86 : vector<720x128xf32>
    %sub3A_90 = arith.constant 1.000000e+00 : f32
    %sub3A_91 = vector.broadcast %sub3A_90 : f32 to vector<720x128xf32>
    %sub3A_92 = arith.subf %mul3A_89, %sub3A_91 : vector<720x128xf32>
    %mul3A_93 = arith.mulf %abs3A_86, %abs3A_86 : vector<720x128xf32>
    %mul3A_94 = arith.mulf %sub3A_92, %mul3A_93 : vector<720x128xf32>
    %add3A_95 = arith.constant 0.666666686 : f32
    %add3A_96 = vector.broadcast %add3A_95 : f32 to vector<720x128xf32>
    %add3A_97 = arith.addf %mul3A_94, %add3A_96 : vector<720x128xf32>
    %sub3A_98 = arith.constant 2.000000e+00 : f32
    %sub3A_99 = vector.broadcast %sub3A_98 : f32 to vector<720x128xf32>
    %sub3A_100 = arith.subf %sub3A_99, %abs3A_86 : vector<720x128xf32>
    %max3A_101 = arith.constant 0.000000e+00 : f32
    %max3A_102 = vector.broadcast %max3A_101 : f32 to vector<720x128xf32>
    %max3A_103 = arith.maximumf %sub3A_100, %max3A_102 : vector<720x128xf32>
    %mul3A_104 = arith.mulf %max3A_103, %max3A_103 : vector<720x128xf32>
    %mul3A_105 = arith.mulf %mul3A_104, %max3A_103 : vector<720x128xf32>
    %mul3A_106 = arith.constant 0.166666672 : f32
    %mul3A_107 = vector.broadcast %mul3A_106 : f32 to vector<720x128xf32>
    %mul3A_108 = arith.mulf %mul3A_105, %mul3A_107 : vector<720x128xf32>
    %lt3A_109 = arith.constant 1.000000e+00 : f32
    %lt3A_110 = vector.broadcast %lt3A_109 : f32 to vector<720x128xf32>
    %lt3A_111 = arith.cmpf olt, %abs3A_86, %lt3A_110 : vector<720x128xf32>
    %select_n3A_112 = arith.select %lt3A_111, %add3A_97, %mul3A_108 : vector<720x128xi1>, vector<720x128xf32>
    %add3A_113 = arith.addf %add3A_52, %select_n3A_112 : vector<720x128xf32>
    %select_n3A_114 = arith.select %ge3A_84, %add3A_113, %broadcast_in_dim3A_31 : vector<720x128xi1>, vector<720x128xf32>
    %sub3A_115 = arith.constant 2.000000e+00 : f32
    %sub3A_116 = vector.broadcast %sub3A_115 : f32 to vector<720x128xf32>
    %sub3A_117 = arith.subf %sub3A_116, %mul3A_23 : vector<720x128xf32>
    %max3A_118 = arith.constant 0.000000e+00 : f32
    %max3A_119 = vector.broadcast %max3A_118 : f32 to vector<720x128xf32>
    %max3A_120 = arith.maximumf %sub3A_117, %max3A_119 : vector<720x128xf32>
    %sub3A_121 = arith.constant 2.000000e+00 : f32
    %sub3A_122 = vector.broadcast %sub3A_121 : f32 to vector<720x128xf32>
    %sub3A_123 = arith.subf %sub3A_122, %mul3A_25 : vector<720x128xf32>
    %max3A_124 = arith.constant 0.000000e+00 : f32
    %max3A_125 = vector.broadcast %max3A_124 : f32 to vector<720x128xf32>
    %max3A_126 = arith.maximumf %sub3A_123, %max3A_125 : vector<720x128xf32>
    %sub3A_127 = arith.constant 1.000000e+00 : f32
    %sub3A_128 = vector.broadcast %sub3A_127 : f32 to vector<720x128xf32>
    %sub3A_129 = arith.subf %sub3A_128, %mul3A_23 : vector<720x128xf32>
    %max3A_130 = arith.constant 0.000000e+00 : f32
    %max3A_131 = vector.broadcast %max3A_130 : f32 to vector<720x128xf32>
    %max3A_132 = arith.maximumf %sub3A_129, %max3A_131 : vector<720x128xf32>
    %sub3A_133 = arith.constant 1.000000e+00 : f32
    %sub3A_134 = vector.broadcast %sub3A_133 : f32 to vector<720x128xf32>
    %sub3A_135 = arith.subf %sub3A_134, %mul3A_25 : vector<720x128xf32>
    %max3A_136 = arith.constant 0.000000e+00 : f32
    %max3A_137 = vector.broadcast %max3A_136 : f32 to vector<720x128xf32>
    %max3A_138 = arith.maximumf %sub3A_135, %max3A_137 : vector<720x128xf32>
    %mul3A_139 = arith.mulf %max3A_120, %max3A_120 : vector<720x128xf32>
    %mul3A_140 = arith.mulf %mul3A_139, %max3A_120 : vector<720x128xf32>
    %mul3A_141 = arith.mulf %max3A_126, %max3A_126 : vector<720x128xf32>
    %mul3A_142 = arith.mulf %mul3A_141, %max3A_126 : vector<720x128xf32>
    %add3A_143 = arith.addf %mul3A_140, %mul3A_142 : vector<720x128xf32>
    %mul3A_144 = arith.mulf %max3A_132, %max3A_132 : vector<720x128xf32>
    %mul3A_145 = arith.mulf %mul3A_144, %max3A_132 : vector<720x128xf32>
    %mul3A_146 = arith.mulf %max3A_138, %max3A_138 : vector<720x128xf32>
    %mul3A_147 = arith.mulf %mul3A_146, %max3A_138 : vector<720x128xf32>
    %add3A_148 = arith.addf %mul3A_145, %mul3A_147 : vector<720x128xf32>
    %mul3A_149 = arith.constant 0.166666672 : f32
    %mul3A_150 = vector.broadcast %mul3A_149 : f32 to vector<720x128xf32>
    %mul3A_151 = arith.mulf %add3A_143, %mul3A_150 : vector<720x128xf32>
    %sub3A_152 = arith.constant 2.000000e+00 : f32
    %sub3A_153 = vector.broadcast %sub3A_152 : f32 to vector<720x128xf32>
    %sub3A_154 = arith.subf %sub3A_153, %mul3A_151 : vector<720x128xf32>
    %mul3A_155 = arith.constant 5.000000e-01 : f32
    %mul3A_156 = vector.broadcast %mul3A_155 : f32 to vector<720x128xf32>
    %mul3A_157 = arith.mulf %add3A_148, %mul3A_156 : vector<720x128xf32>
    %add3A_158 = arith.addf %sub3A_154, %mul3A_157 : vector<720x128xf32>
    %max3A_159 = arith.constant 9.99999993E-9 : f32
    %max3A_160 = vector.broadcast %max3A_159 : f32 to vector<720x128xf32>
    %max3A_161 = arith.maximumf %add3A_158, %max3A_160 : vector<720x128xf32>
    %div3A_162 = arith.constant 1.000000e+00 : f32
    %div3A_163 = vector.broadcast %div3A_162 : f32 to vector<720x128xf32>
    %div3A_164 = arith.divf %div3A_163, %max3A_161 : vector<720x128xf32>
    %mul3A_165 = arith.mulf %select_n3A_81, %div3A_164 : vector<720x128xf32>
    %mul3A_166 = arith.mulf %select_n3A_114, %div3A_164 : vector<720x128xf32>
    %swap3A = arith.constant 0 : index
    %swap3A_167 = arith.constant 0 : index
    %swap3A_168 = arith.constant 0 : index
    %swap3A_169 = arith.constant 0 : index
    %swap3A_170 = vector.load %arg2[%swap3A, %swap3A_167, %swap3A_168, %swap3A_169] : memref<1x2x720x128xf32, #tpu.memory_space<vmem>>, vector<1x1x720x128xf32>
    %swap3A_171 = vector.shape_cast %swap3A_170 : vector<1x1x720x128xf32> to vector<720x128xf32>
    %swap3A_172 = vector.shape_cast %mul3A_165 : vector<720x128xf32> to vector<1x1x720x128xf32>
    tpu.vector_store %arg2[%swap3A, %swap3A_167, %swap3A_168, %swap3A_169], %swap3A_172 {strides = array<i32>} : memref<1x2x720x128xf32, #tpu.memory_space<vmem>>, vector<1x1x720x128xf32>,
    %swap3A_173 = arith.constant 0 : index
    %swap3A_174 = arith.constant 1 : index
    %swap3A_175 = arith.constant 0 : index
    %swap3A_176 = arith.constant 0 : index
    %swap3A_177 = vector.load %arg2[%swap3A_173, %swap3A_174, %swap3A_175, %swap3A_176] : memref<1x2x720x128xf32, #tpu.memory_space<vmem>>, vector<1x1x720x128xf32>
    %swap3A_178 = vector.shape_cast %swap3A_177 : vector<1x1x720x128xf32> to vector<720x128xf32>
    %swap3A_179 = vector.shape_cast %mul3A_166 : vector<720x128xf32> to vector<1x1x720x128xf32>
    tpu.vector_store %arg2[%swap3A_173, %swap3A_174, %swap3A_175, %swap3A_176], %swap3A_179 {strides = array<i32>} : memref<1x2x720x128xf32, #tpu.memory_space<vmem>>, vector<1x1x720x128xf32>,
    return
  }
  func.func @transform_0(%arg0: i32) -> (i32, i32, i32, i32) {
    %c0_i32 = arith.constant 0 : i32
    %c0_i32_0 = arith.constant 0 : i32
    %c0_i32_1 = arith.constant 0 : i32
    %c0_i32_2 = arith.constant 0 : i32
    return %arg0, %c0_i32, %c0_i32_0, %c0_i32_1 : i32, i32, i32, i32
  }
  func.func @transform_1(%arg0: i32) -> (i32, i32, i32, i32) {
    %c0_i32 = arith.constant 0 : i32
    %c0_i32_0 = arith.constant 0 : i32
    %c0_i32_1 = arith.constant 0 : i32
    %c0_i32_2 = arith.constant 0 : i32
    return %arg0, %c0_i32, %c0_i32_0, %c0_i32_1 : i32, i32, i32, i32
  }
}

</mosaic_0001>

<sc_bundles>
// kernel: kernel.4.cloned.1.call-start
scs
__scs_entry_jumppad:
0x0: {  	(pc) =	sbr.rel $0x88, $3  }
0x1: {  	(tag) =	ssettag $0x0;
	lr =	simm.s32 $0x1  }
0x2: {  	[smem:$0x3FA0] =	sst lr;
	_ =	strace $0xD0000000  }
0x3: {  	_ = 	snop  }
0x4: {  	_ = 	snop  }
0x5: {  	_ = 	snop  }
0x6: {  	_ = 	snop  }
0x7: {  	_ = 	snop  }
__scs_overlays_trampoline_lowered:
0x8: {  	[smem:$0x3FAF] =	sst s0  }
0x9: {  	[smem:$0x3FB0] =	sst s1  }
0xa: {  	[smem:$0x3FB1] =	sst s2  }
0xb: {  	[smem:$0x3FB2] =	sst s3  }
0xc: {  	[smem:$0x3FB3] =	sst s4  }
0xd: {  	[smem:$0x3FB4] =	sst s5  }
0xe: {  	[smem:$0x3FB5] =	sst s6  }
0xf: {  	[smem:$0x3FB6] =	sst s7  }
0x10: {  	[smem:$0x3FB7] =	sst s8  }
0x11: {  	[smem:$0x3FB8] =	sst s9;
	s0 =	simm.s32 @!p0 $0x0  }
0x12: {  	s1 =	sld [smem:$0x3F9E];
	s0 =	simm.s32 @p0 $0x1  }
0x13: {  	[smem:$0x3FB9] =	sst s0;
	s0 =	simm.s32 @!p1 $0x0  }
0x14: {  	s2 =	sld [smem:$0x3F9D];
	s0 =	simm.s32 @p1 $0x1  }
0x15: {  	[smem:$0x3FBA] =	sst s0;
	s0 =	simm.s32 @!p2 $0x0  }
0x16: {  	s3 =	sld [smem:$0x3FDB];
	s0 =	simm.s32 @p2 $0x1  }
0x17: {  	s4 =	simm.s32 $0x1BF5;
	[smem:$0x3FBC] =	sst s0  }
0x18: {  	s0 =	sld [smem:$0x3F9F];
	_ =	swait.ge [sflag:s4], $0x0  }
0x19: {  	s7 =	sld [smem:$0x3FA0]  }
0x1a: {  	s8 =	sadd.s32 $0xFFFFE003, lr  }
0x1b: {  	s9 =	sadd.s32 $0xFFFFFEF7, lr;
	s5 =	simm.s32 $0xFFFFFFFF;
	p2 =	slt.u32 s8, $0xFFFFF086  }
0x1c: {  	p1 =	slt.u32 s9, $0xF7A;
	s5 =	simm.s32 @!p2 $0x0  }
0x1d: {  	s5 =	simm.s32 @p1 $0x1;
	p0 =	seq.s32 s7, s2  }
0x1e: {  	s7 =	smul.u32 @!p0 $0xF7A, s2;
	p2 =	seq.s32 @!p0 s5, $0x0  }
0x1f: {  	s9 =	smul.u32 $0xF7A, s1;
	s8 =	simm.s32 @!p0 $0x1BF5;
	p2 =	por !p2, p0  }
0x20: {  	[sflag:s8] =	ssyncset.s32 @!p0 $0xFFFFF086;
	s6 =	sadd.s32 @!p0 s3, s7;
	s7 =	simm.s32 @!p0 $0x108  }
0x21: {  	s3 =	sadd.s32 s3, s9;
	s6 =	sadd.s32 @!p0 $0x88, s6;
	s7 =	simm.s32 @p2 $0x1082  }
0x22: {  	[simem:s7], [sflag:s8] =	dma.local @!p0 [hbm:s6], $0xF7A  }
0x23: {  	s9 =	sor.u32 $0xD0000000, s2;
	s6 =	simm.s32 $0x108;
	_ =	swait.ge @!p0 [sflag:s8], $0x0  }
0x24: {  	s3 =	sadd.s32 $0x88, s3;
	s6 =	simm.s32 @!p1 $0x1082;
	[sflag:s4] =	ssyncset.s32 $0xFFFFF086  }
0x25: {  	[simem:s6], [sflag:s4] =	dma.local [hbm:s3], $0xF7A  }
0x26: {  	[smem:$0x3FA0] =	sst s1;
	(tag) =	ssettag s2;
	_ =	strace s9  }
0x27: {  	s1 =	sld [smem:$0x3FB0]  }
0x28: {  	s2 =	sld [smem:$0x3FB1]  }
0x29: {  	s4 =	sld [smem:$0x3FB3]  }
0x2a: {  	p0 =	seq.s32 s5, $0x0;
	s5 =	sld [smem:$0x3FB4]  }
0x2b: {  	s6 =	sld [smem:$0x3FB5]  }
0x2c: {  	s7 =	sld [smem:$0x3FB6]  }
0x2d: {  	s3 =	simm.s32 $0x108;
	s8 =	sld [smem:$0x3FB7]  }
0x2e: {  	s3 =	simm.s32 @!p0 $0x1082;
	s9 =	sld [smem:$0x3FB8]  }
0x2f: {  	lr =	sadd.s32 s0, s3;
	s0 =	sld [smem:$0x3FAF]  }
0x30: {  	s3 =	sld [smem:$0x3FB2]  }
0x31: {  	[smem:$0x3FBB] =	sst s10  }
0x32: {  	s10 =	sld [smem:$0x3FB9];
	_ =	sdelay $0x3  }
0x33: {  	p0 =	seq.s32 s10, $0x1;
	s10 =	sld [smem:$0x3FBB];
	_ =	sdelay $0x3  }
0x34: {  	[smem:$0x3FBB] =	sst s10  }
0x35: {  	s10 =	sld [smem:$0x3FBA];
	_ =	sdelay $0x3  }
0x36: {  	p1 =	seq.s32 s10, $0x1;
	s10 =	sld [smem:$0x3FBB];
	_ =	sdelay $0x3  }
0x37: {  	[smem:$0x3FBB] =	sst s10  }
0x38: {  	s10 =	sld [smem:$0x3FBC]  }
0x39: {  	_ = 	snop;
	(pc) =	sbr.ind lr, $3  }
0x3a: {  	_ = 	snop  }
0x3b: {  	_ = 	snop  }
0x3c: {  	p2 =	seq.s32 s10, $0x1;
	s10 =	sld [smem:$0x3FBB]  }
0x3d: {  	_ =	shalt  }
0x3e: {  	_ =	shalt  }
0x3f: {  	_ =	shalt  }
0x40: {  	_ =	shalt  }
0x41: {  	_ =	shalt  }
0x42: {  	_ =	shalt  }
0x43: {  	_ =	shalt  }
0x44: {  	_ =	shalt  }
0x45: {  	_ =	shalt  }
0x46: {  	_ =	shalt  }
0x47: {  	_ =	shalt  }
0x48: {  	_ =	shalt  }
0x49: {  	_ =	shalt  }
0x4a: {  	_ =	shalt  }
0x4b: {  	_ =	shalt  }
0x4c: {  	_ =	shalt  }
0x4d: {  	_ =	shalt  }
0x4e: {  	_ =	shalt  }
0x4f: {  	_ =	shalt  }
0x50: {  	_ =	shalt  }
0x51: {  	_ =	shalt  }
0x52: {  	_ =	shalt  }
0x53: {  	_ =	shalt  }
0x54: {  	_ =	shalt  }
0x55: {  	_ =	shalt  }
0x56: {  	_ =	shalt  }
0x57: {  	_ =	shalt  }
0x58: {  	_ =	shalt  }
0x59: {  	_ =	shalt  }
0x5a: {  	_ =	shalt  }
0x5b: {  	_ =	shalt  }
0x5c: {  	_ =	shalt  }
0x5d: {  	_ =	shalt  }
0x5e: {  	_ =	shalt  }
0x5f: {  	_ =	shalt  }
0x60: {  	_ =	shalt  }
0x61: {  	_ =	shalt  }
0x62: {  	_ =	shalt  }
0x63: {  	_ =	shalt  }
0x64: {  	_ =	shalt  }
0x65: {  	_ =	shalt  }
0x66: {  	_ =	shalt  }
0x67: {  	_ =	shalt  }
0x68: {  	_ =	shalt  }
0x69: {  	_ =	shalt  }
0x6a: {  	_ =	shalt  }
0x6b: {  	_ =	shalt  }
0x6c: {  	_ =	shalt  }
0x6d: {  	_ =	shalt  }
0x6e: {  	_ =	shalt  }
0x6f: {  	_ =	shalt  }
0x70: {  	_ =	shalt  }
0x71: {  	_ =	shalt  }
0x72: {  	_ =	shalt  }
0x73: {  	_ =	shalt  }
0x74: {  	_ =	shalt  }
0x75: {  	_ =	shalt  }
0x76: {  	_ =	shalt  }
0x77: {  	_ =	shalt  }
0x78: {  	_ =	shalt  }
0x79: {  	_ =	shalt  }
0x7a: {  	_ =	shalt  }
0x7b: {  	_ =	shalt  }
0x7c: {  	_ =	shalt  }
0x7d: {  	_ =	shalt  }
0x7e: {  	_ =	shalt  }
0x7f: {  	_ =	shalt  }
0x80: {  	_ =	shalt  }
0x81: {  	_ =	shalt  }
0x82: {  	_ =	shalt  }
0x83: {  	_ =	shalt  }
0x84: {  	_ =	shalt  }
0x85: {  	_ =	shalt  }
0x86: {  	_ =	shalt  }
0x87: {  	_ =	shalt  }
.Lfunc_end0:
.L_simem_size_0:
called_computation_lowered:
.L_overlay_start_0:
0x88: {  	s2 =	sld [smem:$0x3FD9]  }
0x89: {  	s3 =	sld [smem:$0x3FFE];
	_ =	sdelay $0x1  }
0x8a: {  	s1 =	srdreg.scid  }
0x8b: {  	s0 =	sand.u32 $0x1, s1  }
0x8c: {  	s17 =	sshll.u32 s0, $0xA;
	s2 =	sadd.s32 s3, s2  }
0x8d: {  	s2 =	sadd.s32 s2, s17  }
0x8e: {  	[smem:$0x3FC7] =	sst s2  }
0x8f: {  	_ = 	snop  }
0x90: {  	s2 =	sld [smem:$0x3FD0];
	(tm) =	ssettm $0x1  }
0x91: {  	s18 =	sld [smem:$0x3FFB];
	_ =	sdelay $0x3  }
0x92: {  	_ =	strace s18  }
0x93: {  	s3 =	sld [smem:$0x3FFC];
	_ =	sdelay $0x3  }
0x94: {  	_ =	strace s3  }
0x95: {  	s3 =	sld [smem:$0x3FFD];
	_ =	sdelay $0x3  }
0x96: {  	_ =	strace s3  }
0x97: {  	_ =	strace $0x8FFFFFFF  }
0x98: {  	s19 =	sld [smem:$0x3FDB];
	_ =	sdelay $0x1  }
0x99: {  	s4 =	simm.s32 $_scs_section_size  }
0x9a: {  	s5 =	simm.s32 $_size__tile_overlayer_lowered;
	s6 =	simm.s32 $_tile_overlayer_lowered  }
0x9b: {  	s22 =	simm.s32 $0x1BFF;
	s21 =	sshll.u32 s6, $0x1;
	s3 =	sadd.s32 s4, s19  }
0x9c: {  	s7 =	simm.s32 $0x0;
	s20 =	sshll.u32 s5, $0x1;
	s5 =	sadd.s32 s21, s3  }
0x9d: {  	[timem:s7], [sflag:s22] =	dma.local [hbm:s5], s20  }
0x9e: {  	_ =	swait.ge [sflag:s22], s20  }
0x9f: {  	s4 =	ssub.s32 $0x0, s20;
	[sflag:s22] =	ssyncset.done $0x0  }
0xa0: {  	[sflag:s22] =	ssyncadd.s32 s4;
	_ =	sdelay $0x1  }
0xa1: {  	s23 =	simm.s32 $0x1B8B  }
0xa2: {  	_ =	swait.ge [sflag:s23], $0x1  }
0xa3: {  	[sflag:s23] =	ssyncset.done $0x0  }
0xa4: {  	s25 =	simm.s32 $0x1B8E;
	s24 =	sld [smem:$0x3FFE];
	[sflag:s23] =	ssyncadd.s32 $0xFFFFFFFF  }
0xa5: {  	s26 =	simm.s32 $execute0_lowered;
	[smem:$0x3FD2] =	sst s25  }
0xa6: {  	s5 =	sshll.u32 s26, $0x1;
	_ =	strace $0x80000046;
	[dreg:$0x1] =	wrdreg $0xFFFFFFFF  }
0xa7: {  	s28 =	simm.s32 $_size_execute0_lowered;
	s3 =	sadd.s32 s3, s5;
	[dreg:$0x0] =	wrdreg $0x0  }
0xa8: {  	s5 =	sshll.u32 s28, $0x1;
	[dreg:$0x2] =	wrdreg s3  }
0xa9: {  	[dreg:$0x3] =	wrdreg s5  }
0xaa: {  	[dreg:$0x4] =	wrdreg $0xC0  }
0xab: {  	_ =	task [dreg:s7], $0x5FFFF  }
0xac: {  	[dreg:$0x1] =	wrdreg $0xFFFFFFFF  }
0xad: {  	[dreg:$0x0] =	wrdreg $0x60  }
0xae: {  	[dreg:$0x2] =	wrdreg s2  }
0xaf: {  	[dreg:$0x3] =	wrdreg s24  }
0xb0: {  	[dreg:$0x4] =	wrdreg $0x9  }
0xb1: {  	_ =	task.clear_ibuf [dreg:s7], $0x5FFFF;
	_ =	strace $0x90000046  }
0xb2: {  	s29 =	simm.s32 $0x9;
	_ =	strace $0x80000048  }
0xb3: {  	_ =	swait.ge [sflag:s29], $0x1  }
0xb4: {  	[sflag:s29] =	ssyncadd.s32 $0xFFFFFFFF  }
0xb5: {  	_ =	strace $0x90000048  }
0xb6: {  	_ =	sfence  }
0xb7: {  	s30 =	sld [smem:$0x0];
	_ =	sdelay $0x2  }
0xb8: {  	s31 =	sshll.u32 s1, $0xD;
	s1 =	sshrl.u32 s1, $0x2  }
0xb9: {  	s3 =	sand.u32 $0x4000, s31;
	s1 =	sadd.s32 s1, s30  }
0xba: {  	s0 =	sor.u32 s3, s0;
	s1 =	sshll.u32 s1, $0x11  }
0xbb: {  	s0 =	sor.u32 s1, s0  }
0xbc: {  	s0 =	sadd.s32 $0x8F2B, s0  }
0xbd: {  	[sflag:s0] =	ssyncadd.remote.s32 $0x1  }
0xbe: {  	_ =	sfence.sel $0xFFFF  }
0xbf: {  	[dreg:$0x0] =	wrdreg $0xFFFFFFFF;
	(pc) =	sbr.abs _section_cstart, $3  }
0xc0: {  	[dreg:$0x1] =	wrdreg $0xFFFFFFFF  }
0xc1: {  	_ =	task.clear_ibuf [dreg:s7], $0x2FFFF;
	_ =	strace $0x9FFFFFFF  }
0xc2: {  	(tm) =	ssettm $0x7FFFFFFF  }
0xc3: {  	_ =	shalt  }
tec
execute0_lowered:
.L_overlay_start_1:
0x0: {  	(tag) =	ssettag $0x1  }
0x1: {  	s0 =	srdreg.scid;
	s2 =	simm.s32 $0x1;
	s7 =	rddreg [dreg:$0x0]  }
0x2: {  	s5 =	rddreg [dreg:$0x1];
	s15 =	simm.s32 $0x2880;
	s3 =	sand.u32 $0x1, s0  }
0x3: {  	s16 =	simm.s32 $0x3600;
	s0 =	stileid.u32;
	s1 =	sshll.u32 s3, $0x4  }
0x4: {  	s17 =	simm.s32 $0x5100;
	s4 =	sand.u32 $0x7, s0;
	s1 =	sor.u32 s0, s1  }
0x5: {  	s18 =	simm.s32 $0x2;
	p1 =	sne.s32 s4, $0x0;
	p0 =	seq.s32 s1, $0x0  }
0x6: {  	s19 =	simm.s32 $0x4380;
	s20 =	simm.s32 $0x5E80;
	p0 =	por !p1, !p0  }
0x7: {  	s21 =	simm.s32 $0x3;
	s22 =	simm.s32 $0x0;
	p0 =	por !p0, !p0  }
0x8: {  	s3 =	ssub.s32 $0x2, s3;
	s1 =	sshrl.u32 s1, $0x3;
	s2 =	simm.s32 @!p0 $0x0  }
0x9: {  	s4 =	smul.u32 $0x1B00, s4;
	s9 =	sshrl.u32 s3, $0x1;
	s6 =	ssub.s32 s1, s2  }
0xa: {  	s11 =	sadd.s32 $0xC00, s5;
	s12 =	ssub.s32 s3, s9;
	s8 =	smul.u32 $0x48000, s6  }
0xb: {  	s1 =	rddreg [dreg:$0x2];
	s2 =	simm.s32 $0x0;
	s6 =	smul.u32 $0x1B000, s6  }
0xc: {  	s3 =	simm.s32 $0x1;
	s12 =	smax.u32 s12, $0x1;
	[smem:$0x7FF] =	sst s2  }
0xd: {  	_ =	strace $0x80000047;
	s8 =	sadd.s32 s4, s8;
	s25 =	sadd.s32 s4, s6  }
0xe: {  	s26 =	sadd.s32 $0x24000, s8;
	s10 =	sadd.s32 $0xD800, s25;
	s28 =	sshrl.u32 s8, $0x3  }
0xf: {  	s29 =	sadd.s32 $0xD80, s8;
	s8 =	sadd.s32 $0x24D80, s8;
	s13 =	sshrl.u32 s25, $0x3  }
0x10: {  	s30 =	sadd.s32 $0xD80, s25;
	s14 =	sadd.s32 $0xE580, s25;
	s4 =	sadd.s32 s7, s28  }
0x11: {  	s5 =	sshrl.u32 s26, $0x3;
	s6 =	sshrl.u32 s29, $0x3;
	s8 =	sshrl.u32 s8, $0x3  }
0x12: {  	s10 =	sshrl.u32 s10, $0x3;
	s31 =	sshrl.u32 s14, $0x3;
	s14 =	simm.s32 $0xD80  }
0x13: {  	s5 =	sadd.s32 s7, s5;
	s6 =	sadd.s32 s7, s6;
	s7 =	sadd.s32 s7, s8  }
0x14: {  	s8 =	sadd.s32 s11, s13;
	s13 =	sshrl.u32 s30, $0x3;
	s9 =	sadd.s32 s11, s10  }
0x15: {  	s10 =	sadd.s32 s11, s13;
	s11 =	sadd.s32 s11, s31;
	s13 =	simm.s32 $0x1B00  }
.LBB2_1:
0x16: {  	[tilespmem:s2], [sflag:$0x1] =	stream.linear.gather [hbm4b:s4+s2], $0xD80, $0x38;
	[tilespmem:$0x6C00] =	vst v63  }
0x17: {  	_ = 	snop  }
0x18: {  	[tilespmem:s13], [sflag:$0x1] =	stream.linear.gather [hbm4b:s5+s2], $0xD80, $0x38;
	[tilespmem:$0x6C00] =	vst v63  }
0x19: {  	_ = 	snop  }
0x1a: {  	[tilespmem:s14], [sflag:$0x2] =	stream.linear.gather [hbm4b:s6+s2], $0xD80, $0x38;
	[tilespmem:$0x6C00] =	vst v63  }
0x1b: {  	_ = 	snop  }
0x1c: {  	[tilespmem:s15], [sflag:$0x2] =	stream.linear.gather [hbm4b:s7+s2], $0xD80, $0x38;
	[tilespmem:$0x6C00] =	vst v63  }
0x1d: {  	_ =	swait.ge [sflag:s3], $0xD80  }
0x1e: {  	[sflag:s3] =	ssyncset.done $0x0  }
0x1f: {  	[sflag:s3] =	ssyncadd.s32 $0xFFFFF280  }
0x20: {  	_ =	swait.ge [sflag:s3], $0xD80  }
0x21: {  	[sflag:s3] =	ssyncset.done $0x0  }
0x22: {  	s23 =	simm.s32 $0x0;
	[sflag:s3] =	ssyncadd.s32 $0xFFFFF280  }
0x23: {  	v0 =	vld [tilespmem:s23+$0x0]  }
0x24: {  	v1 =	vld [tilespmem:s23+$0x1B00]  }
0x25: {  	v2 =	vld [tilespmem:s23+$0x1B10]  }
0x26: {  	v3 =	vld [tilespmem:s23+$0x10];
	_ =	sdelay $0x2  }
0x27: {  	v4 =	vmin.f32 v0, v1;
	v5 =	vmax.f32 v0, v1  }
0x28: {  	v5 =	vsub.f32 v5, v4  }
0x29: {  	v6 =	vmin.f32 v3, v2;
	v7 =	vmax.f32 v3, v2  }
0x2a: {  	v7 =	vsub.f32 v7, v6;
	v5 =	vmul.f32 $6.250000000e-02, v5;
	_ =	sdelay $0x1  }
0x2b: {  	v7 =	vmul.f32 $6.250000000e-02, v7;
	v8 =	vmax.f32 v5, $9.999999930e-09  }
0x2c: {  	(erf) = vrcp.f32 v8  }
0x2d: {  	v8 =	vmax.f32 v7, $9.999999930e-09  }
0x2e: {  	(erf) = vrcp.f32 v8;
	_ =	sdelay $0x1  }
0x2f: {  	v5 =	vadd.f32 v5, v5;
	_ =	sdelay $0x1  }
0x30: {  	v7 =	vadd.f32 v7, v7;
	v4 =	vsub.f32 v4, v5;
	_ =	sdelay $0x1  }
0x31: {  	v5 =	vsub.f32 v6, v7;
	v0 =	vsub.f32 v0, v4  }
0x32: {  	v4 =	vsub.f32 v1, v4;
	v6 =	vpop (erf)  }
0x33: {  	v2 =	vsub.f32 v2, v5;
	v1 =	vmul.f32 v0, v6  }
0x34: {  	v0 =	vsub.f32 v3, v5;
	v4 =	vmul.f32 v4, v6;
	v3 =	vpop (erf)  }
0x35: {  	v7 =	vmul.f32 v2, v3;
	v5 =	vsub.f32 $2.000000000e+00, v1  }
0x36: {  	v12 =	vmul.f32 v0, v3;
	v0 =	vsub.f32 $2.000000000e+00, v4  }
0x37: {  	v14 =	vtrunc.f32 v1;
	v13 =	vsub.f32 $1.000000000e+00, v7;
	v3 =	vmax.f32 v5, $0.0e+00  }
0x38: {  	v5 =	vsub.f32 $2.000000000e+00, v7;
	v6 =	vsub.f32 $2.000000000e+00, v12;
	v0 =	vmax.f32 v0, $0.0e+00  }
0x39: {  	v8 =	vmul.f32 v3, v3;
	v9 =	vmul.f32 v0, v0;
	v13 =	vmax.f32 v13, $0.0e+00  }
0x3a: {  	v5 =	vmax.f32 v5, $0.0e+00;
	v6 =	vmax.f32 v6, $0.0e+00;
	v17 =	vmul.f32 v13, v13  }
0x3b: {  	v2 =	vsub.f32 $1.000000000e+00, v1;
	v10 =	vmul.f32 v5, v5;
	v15 =	vmul.f32 v6, v6  }
0x3c: {  	v11 =	vsub.f32 $1.000000000e+00, v12;
	v0 =	vmul.f32 v9, v0;
	v9 =	vtrunc.f32 v12  }
0x3d: {  	v16 =	vsub.f32 $1.000000000e+00, v4;
	v3 =	vmul.f32 v8, v3;
	v5 =	vmul.f32 v10, v5  }
0x3e: {  	v11 =	vmax.f32 v11, $0.0e+00;
	v10 =	vtrunc.f32 v7;
	v6 =	vmul.f32 v15, v6  }
0x3f: {  	v2 =	vmax.f32 v2, $0.0e+00;
	v15 =	vmul.f32 v11, v11;
	v18 =	vcvt.f32.s32 v10  }
0x40: {  	v13 =	vmul.f32 v17, v13;
	v10 =	vmul.f32 v2, v2;
	v5 =	vadd.f32 v5, v6  }
0x41: {  	v6 =	vmul.f32 v15, v11;
	v11 =	vmax.f32 v16, $0.0e+00;
	v15 =	vcvt.s32.f32 v18  }
0x42: {  	v17 =	vtrunc.f32 v4;
	v16 =	vmul.f32 v11, v11  }
0x43: {  	v2 =	vmul.f32 v10, v2;
	v5 =	vmul.f32 $1.666666720e-01, v5;
	v19 =	vsub.f32 v12, v15  }
0x44: {  	v6 =	vadd.f32 v13, v6;
	v16 =	vmul.f32 v16, v11;
	v15 =	vsub.f32 v7, v15  }
0x45: {  	vm0 =	vgt.s32 v18, $0x0;
	v5 =	vsub.f32 $2.000000000e+00, v5;
	v11 =	vand.u32 $0x7FFFFFFF, v19  }
0x46: {  	v8 =	vmul.f32 $5.000000000e-01, v15;
	v10 =	vadd.f32 v16, v2;
	v16 =	vmul.f32 $5.000000000e-01, v6  }
0x47: {  	v2 =	vcvt.f32.s32 v9;
	v6 =	vmul.f32 v15, v15;
	v9 =	vadd.f32 v0, v3  }
0x48: {  	v3 =	vcvt.f32.s32 v17;
	v0 =	vcvt.f32.s32 v14;
	v13 =	vsub.f32 $2.000000000e+00, v11  }
0x49: {  	v5 =	vadd.f32 v5, v16;
	v16 =	vcvt.s32.f32 v2;
	v8 =	vadd.f32 $-1.000000000e+00, v8  }
0x4a: {  	v18 =	vcvt.s32.f32 v3;
	v14 =	vcvt.s32.f32 v0;
	v13 =	vmax.f32 v13, $0.0e+00  }
0x4b: {  	v15 =	vmul.f32 v13, v13;
	v5 =	vmax.f32 v5, $9.999999930e-09;
	v17 =	vsub.f32 v7, v16  }
0x4c: {  	v12 =	vsub.f32 v12, v16;
	v16 =	vmul.f32 $5.000000000e-01, v11;
	v20 =	vsub.f32 v1, v18  }
0x4d: {  	v7 =	vmul.f32 v15, v13;
	v15 =	vmul.f32 v19, v19;
	v13 =	vand.u32 $0x7FFFFFFF, v17  }
0x4e: {  	s24 =	simm.s32 $0x80;
	v16 =	vadd.f32 $-1.000000000e+00, v16;
	v19 =	vmul.f32 $5.000000000e-01, v13;
	v21 =	vsub.f32 $2.000000000e+00, v13  }
.LBB2_2:
0x4f: {  	s25 =	sshra.s32 s24, $0x2;
	p0 =	sne.s32 s24, $0x3580;
	s24 =	sadd.s32 $0x80, s24;
	v18 =	vsub.f32 v4, v18;
	v4 =	vsub.f32 v4, v14;
	v17 =	vmul.f32 v17, v17  }
0x50: {  	v23 =	vand.u32 $0x7FFFFFFF, v20;
	v20 =	vmul.f32 v20, v20;
	v22 =	vld [tilespmem:s25+$0x1B10];
	v21 =	vmax.f32 v21, $0.0e+00  }
0x51: {  	v19 =	vadd.f32 $-1.000000000e+00, v19;
	v24 =	vld [tilespmem:s25+$0x0];
	v25 =	vmul.f32 v4, v4;
	v26 =	vmul.f32 v21, v21  }
0x52: {  	v7 =	vmul.f32 $1.666666720e-01, v7;
	v28 =	vand.u32 $0x7FFFFFFF, v4;
	v4 =	vmul.f32 $5.000000000e-01, v12;
	v27 =	vld [tilespmem:s25+$0x1B00]  }
0x53: {  	v30 =	vmul.f32 $1.666666720e-01, v9;
	vm1 =	vlt.f32 v11, $1.000000000e+00;
	v9 =	vmul.f32 v16, v15;
	v29 =	vld [tilespmem:s25+$0x10]  }
0x54: {  	v11 =	vsub.f32 $2.000000000e+00, v28;
	v15 =	vmul.f32 v19, v17;
	v16 =	vmul.f32 v26, v21  }
0x55: {  	v1 =	vsub.f32 v1, v14;
	v14 =	vmul.f32 $5.000000000e-01, v28;
	v4 =	vadd.f32 $-1.000000000e+00, v4  }
0x56: {  	vm2 =	vlt.f32 v13, $1.000000000e+00;
	v17 =	vmul.f32 v18, v18;
	v16 =	vmul.f32 $1.666666720e-01, v16  }
0x57: {  	v10 =	vmul.f32 $5.000000000e-01, v10;
	v13 =	vmin.f32 v24, v27;
	v19 =	vmax.f32 v24, v27  }
0x58: {  	v18 =	vmul.f32 $5.000000000e-01, v18;
	v21 =	vmin.f32 v29, v22;
	v26 =	vmax.f32 v29, v22  }
0x59: {  	v31 =	vmul.f32 $5.000000000e-01, v1;
	v12 =	vmul.f32 v12, v12;
	v26 =	vsub.f32 v26, v21  }
0x5a: {  	v32 =	vmul.f32 $5.000000000e-01, v23;
	v11 =	vmax.f32 v11, $0.0e+00;
	v19 =	vsub.f32 v19, v13  }
0x5b: {  	v1 =	vmul.f32 v1, v1;
	v31 =	vadd.f32 $-1.000000000e+00, v31;
	v26 =	vmul.f32 $6.250000000e-02, v26  }
0x5c: {  	v33 =	vsub.f32 $2.000000000e+00, v23;
	v30 =	vsub.f32 $2.000000000e+00, v30;
	v19 =	vmul.f32 $6.250000000e-02, v19  }
0x5d: {  	v35 =	vmul.f32 v11, v11;
	v34 =	vadd.f32 v26, v26;
	v26 =	vmax.f32 v26, $9.999999930e-09  }
0x5e: {  	v33 =	vmax.f32 v33, $0.0e+00;
	v18 =	vadd.f32 $-1.000000000e+00, v18;
	v36 =	vmax.f32 v19, $9.999999930e-09  }
0x5f: {  	v11 =	vmul.f32 v35, v11;
	v21 =	vsub.f32 v21, v34;
	(erf) = vrcp.f32 v36  }
0x60: {  	v4 =	vmul.f32 v4, v12;
	v12 =	vadd.f32 $6.666666860e-01, v15;
	v34 =	vmul.f32 v33, v33  }
0x61: {  	v6 =	vmul.f32 v8, v6;
	v15 =	vsub.f32 v29, v21;
	(erf) = vrcp.f32 v26  }
0x62: {  	v11 =	vmul.f32 $1.666666720e-01, v11;
	v8 =	vadd.f32 v19, v19;
	v19 =	vmul.f32 v34, v33  }
0x63: {  	v21 =	vsub.f32 v22, v21;
	v22 =	vmul.f32 v31, v1;
	v26 =	vadd.f32 $6.666666860e-01, v4  }
0x64: {  	v1 =	vmul.f32 v18, v17;
	v4 =	vadd.f32 $-1.000000000e+00, v14;
	v14 =	vmul.f32 $1.666666720e-01, v19  }
0x65: {  	vm3 =	vlt.f32 v23, $1.000000000e+00;
	v12 =	vsel vm2, v12, v16;
	v8 =	vsub.f32 v13, v8  }
0x66: {  	v13 =	vadd.f32 $6.666666860e-01, v1;
	v16 =	vmul.f32 v4, v25;
	v1 =	vadd.f32 v30, v10  }
0x67: {  	v4 =	vsub.f32 v24, v8;
	v8 =	vsub.f32 v27, v8;
	(erf) = vrcp.f32 v5  }
0x68: {  	v6 =	vadd.f32 $6.666666860e-01, v6;
	v10 =	vadd.f32 $-1.000000000e+00, v32;
	v17 =	vmax.f32 v1, $9.999999930e-09;
	v5 =	vpop (erf)  }
0x69: {  	vm4 =	vlt.f32 v28, $1.000000000e+00;
	v1 =	vmul.f32 v4, v5;
	v4 =	vmul.f32 v8, v5  }
0x6a: {  	vm2 =	vgt.s32 v2, $0x0;
	v16 =	vadd.f32 $6.666666860e-01, v16;
	v8 =	vadd.f32 $6.666666860e-01, v22;
	v5 =	vpop (erf)  }
0x6b: {  	v10 =	vmul.f32 v10, v20;
	v2 =	vsub.f32 $2.000000000e+00, v1;
	v15 =	vmul.f32 v15, v5  }
0x6c: {  	v18 =	vsub.f32 $2.000000000e+00, v4;
	v19 =	vsub.f32 $1.000000000e+00, v1;
	v20 =	vmul.f32 v21, v5  }
0x6d: {  	v11 =	vsel vm4, v16, v11;
	v2 =	vmax.f32 v2, $0.0e+00;
	v5 =	vsub.f32 $2.000000000e+00, v15  }
0x6e: {  	v10 =	vadd.f32 $6.666666860e-01, v10;
	v16 =	vmax.f32 v18, $0.0e+00;
	v18 =	vsub.f32 $2.000000000e+00, v20  }
0x6f: {  	vm4 =	vgt.s32 v3, $0x0;
	v8 =	vadd.f32 v11, v8;
	v21 =	vmul.f32 v2, v2  }
0x70: {  	v3 =	vmax.f32 v19, $0.0e+00;
	v11 =	vmax.f32 v18, $0.0e+00;
	(erf) = vrcp.f32 v17;
	v17 =	vpop (erf)  }
0x71: {  	v19 =	vsub.f32 $1.000000000e+00, v20;
	v18 =	vmul.f32 v16, v16;
	v22 =	vmul.f32 v11, v11  }
0x72: {  	v12 =	vadd.f32 v12, v26;
	v23 =	vtrunc.f32 v1;
	v24 =	vmul.f32 v3, v3  }
0x73: {  	v25 =	vsub.f32 $1.000000000e+00, v4;
	v5 =	vmax.f32 v5, $0.0e+00;
	v11 =	vmul.f32 v22, v11  }
0x74: {  	v10 =	vsel vm3, v10, v14;
	v26 =	vmul.f32 v5, v5;
	v22 =	vsub.f32 $1.000000000e+00, v15  }
0x75: {  	v10 =	vadd.f32 v10, v13;
	v14 =	vtrunc.f32 v20;
	v19 =	vmax.f32 v19, $0.0e+00  }
0x76: {  	v13 =	vmax.f32 v25, $0.0e+00;
	v5 =	vmul.f32 v26, v5;
	v22 =	vmax.f32 v22, $0.0e+00  }
0x77: {  	v10 =	vnsel vm4, $0x0, v10;
	v26 =	vmul.f32 v19, v19;
	v25 =	vmul.f32 v22, v22  }
0x78: {  	v9 =	vadd.f32 $6.666666860e-01, v9;
	v14 =	vcvt.f32.s32 v14;
	v5 =	vadd.f32 v11, v5  }
0x79: {  	vm3 =	vgt.s32 v0, $0x0;
	v19 =	vmul.f32 v26, v19;
	v11 =	vmul.f32 v25, v22;
	v0 =	vpop (erf)  }
0x7a: {  	v7 =	vsel vm1, v9, v7;
	v16 =	vmul.f32 v18, v16;
	v5 =	vmul.f32 $1.666666720e-01, v5  }
0x7b: {  	v6 =	vadd.f32 v7, v6;
	v9 =	vmul.f32 v13, v13;
	v18 =	vtrunc.f32 v15  }
0x7c: {  	v7 =	vcvt.s32.f32 v14;
	v5 =	vsub.f32 $2.000000000e+00, v5;
	v10 =	vmul.f32 v10, v0  }
0x7d: {  	v6 =	vnsel vm0, $0x0, v6;
	v8 =	vnsel vm3, $0x0, v8;
	v9 =	vmul.f32 v9, v13  }
0x7e: {  	v6 =	vmul.f32 v6, v17;
	v13 =	vsub.f32 v15, v7;
	v0 =	vmul.f32 v8, v0;
	[tilespmem:s23+$0x5100] =	vst v10  }
0x7f: {  	v7 =	vsub.f32 v20, v7;
	v8 =	vadd.f32 v19, v11;
	v10 =	vnsel vm2, $0x0, v12  }
0x80: {  	v3 =	vmul.f32 v24, v3;
	v11 =	vand.u32 $0x7FFFFFFF, v13;
	[tilespmem:s23+$0x3600] =	vst v0;
	v0 =	vmul.f32 v10, v17  }
0x81: {  	v19 =	vsub.f32 $2.000000000e+00, v11;
	v12 =	vmul.f32 v21, v2;
	v17 =	vmul.f32 $5.000000000e-01, v7;
	[tilespmem:s23+$0x5110] =	vst v6  }
0x82: {  	v21 =	vtrunc.f32 v4;
	v10 =	vadd.f32 v9, v3;
	v3 =	vmul.f32 $5.000000000e-01, v8;
	[tilespmem:s23+$0x3610] =	vst v0;
	s23 =	smov.u32 s25  }
0x83: {  	v2 =	vcvt.f32.s32 v18;
	v6 =	vmul.f32 v7, v7;
	v7 =	vmax.f32 v19, $0.0e+00  }
0x84: {  	v9 =	vadd.f32 v16, v12;
	v12 =	vmul.f32 v7, v7;
	v5 =	vadd.f32 v5, v3  }
0x85: {  	v16 =	vcvt.s32.f32 v2;
	v3 =	vcvt.f32.s32 v21;
	v8 =	vadd.f32 $-1.000000000e+00, v17  }
.Ltmp0:
0x86: {  	vm0 =	vgt.s32 v14, $0x0;
	v0 =	vcvt.f32.s32 v23;
	v5 =	vmax.f32 v5, $9.999999930e-09;
	(pc) =	sbr.rel @p0 .LBB2_2-.Ltmp0, $4  }
0x87: {  	v17 =	vsub.f32 v20, v16;
	v18 =	vcvt.s32.f32 v3;
	v7 =	vmul.f32 v12, v7  }
0x88: {  	v12 =	vsub.f32 v15, v16;
	v16 =	vmul.f32 $5.000000000e-01, v11;
	v15 =	vmul.f32 v13, v13  }
0x89: {  	v14 =	vcvt.s32.f32 v0;
	v13 =	vand.u32 $0x7FFFFFFF, v17;
	v20 =	vsub.f32 v1, v18  }
0x8a: {  	v19 =	vmul.f32 $5.000000000e-01, v13;
	v21 =	vsub.f32 $2.000000000e+00, v13;
	v16 =	vadd.f32 $-1.000000000e+00, v16  }
0x8b: {  	v18 =	vsub.f32 v4, v18;
	v17 =	vmul.f32 v17, v17  }
0x8c: {  	v4 =	vsub.f32 v4, v14;
	v22 =	vmul.f32 v20, v20;
	v25 =	vmul.f32 $5.000000000e-01, v12  }
0x8d: {  	v20 =	vand.u32 $0x7FFFFFFF, v20;
	v7 =	vmul.f32 $1.666666720e-01, v7;
	v9 =	vmul.f32 $1.666666720e-01, v9  }
0x8e: {  	vm1 =	vlt.f32 v11, $1.000000000e+00;
	v1 =	vsub.f32 v1, v14;
	v10 =	vmul.f32 $5.000000000e-01, v10  }
0x8f: {  	vm2 =	vlt.f32 v13, $1.000000000e+00;
	v12 =	vmul.f32 v12, v12;
	v6 =	vmul.f32 v8, v6  }
0x90: {  	(erf) = vrcp.f32 v5;
	v21 =	vmax.f32 v21, $0.0e+00;
	v19 =	vadd.f32 $-1.000000000e+00, v19  }
0x91: {  	v15 =	vmul.f32 v16, v15;
	v62 =	vsub.f32 $2.000000000e+00, v20;
	v26 =	vmul.f32 $5.000000000e-01, v20  }
0x92: {  	vm3 =	vlt.f32 v20, $1.000000000e+00;
	v23 =	vmul.f32 v4, v4;
	v24 =	vmul.f32 v21, v21  }
0x93: {  	v4 =	vand.u32 $0x7FFFFFFF, v4;
	v13 =	vmul.f32 $5.000000000e-01, v18;
	v9 =	vsub.f32 $2.000000000e+00, v9  }
0x94: {  	v11 =	vsub.f32 $2.000000000e+00, v4;
	v17 =	vmul.f32 v19, v17;
	v14 =	vmul.f32 $5.000000000e-01, v4  }
0x95: {  	v19 =	vadd.f32 $-1.000000000e+00, v25;
	v16 =	vmul.f32 v24, v21;
	v21 =	vmul.f32 v18, v18  }
0x96: {  	v18 =	vmul.f32 $5.000000000e-01, v1;
	v1 =	vmul.f32 v1, v1;
	v11 =	vmax.f32 v11, $0.0e+00  }
0x97: {  	v24 =	vmax.f32 v62, $0.0e+00;
	v9 =	vadd.f32 v9, v10;
	v63 =	vmul.f32 v11, v11  }
0x98: {  	v10 =	vadd.f32 $-1.000000000e+00, v13;
	v13 =	vmul.f32 v24, v24;
	v12 =	vmul.f32 v19, v12  }
0x99: {  	v16 =	vmul.f32 $1.666666720e-01, v16;
	v5 =	vmax.f32 v9, $9.999999930e-09;
	v11 =	vmul.f32 v63, v11  }
0x9a: {  	v18 =	vadd.f32 $-1.000000000e+00, v18;
	v9 =	vadd.f32 $-1.000000000e+00, v26;
	(erf) = vrcp.f32 v5  }
0x9b: {  	v10 =	vmul.f32 v10, v21;
	v8 =	vmul.f32 $1.666666720e-01, v11;
	v11 =	vadd.f32 $-1.000000000e+00, v14  }
0x9c: {  	v6 =	vadd.f32 $6.666666860e-01, v6;
	v5 =	vmul.f32 v13, v24;
	v9 =	vmul.f32 v9, v22  }
0x9d: {  	v13 =	vadd.f32 $6.666666860e-01, v17;
	v1 =	vmul.f32 v18, v1;
	v11 =	vmul.f32 v11, v23  }
0x9e: {  	v10 =	vadd.f32 $6.666666860e-01, v10;
	v5 =	vmul.f32 $1.666666720e-01, v5;
	v9 =	vadd.f32 $6.666666860e-01, v9  }
0x9f: {  	v13 =	vsel vm2, v13, v16;
	vm2 =	vlt.f32 v4, $1.000000000e+00;
	v4 =	vadd.f32 $6.666666860e-01, v11  }
0xa0: {  	v1 =	vadd.f32 $6.666666860e-01, v1;
	v5 =	vsel vm3, v9, v5;
	v9 =	vadd.f32 $6.666666860e-01, v15  }
0xa1: {  	v12 =	vadd.f32 $6.666666860e-01, v12;
	v5 =	vadd.f32 v5, v10;
	v4 =	vsel vm2, v4, v8  }
0xa2: {  	vm2 =	vgt.s32 v3, $0x0;
	v3 =	vpop (erf);
	v1 =	vadd.f32 v4, v1;
	v4 =	vsel vm1, v9, v7  }
0xa3: {  	v5 =	vnsel vm2, $0x0, v5;
	vm1 =	vgt.s32 v0, $0x0;
	v0 =	vpop (erf);
	v4 =	vadd.f32 v4, v6  }
0xa4: {  	v6 =	vadd.f32 v13, v12;
	v5 =	vmul.f32 v5, v0;
	v1 =	vnsel vm1, $0x0, v1  }
0xa5: {  	vm1 =	vgt.s32 v2, $0x0;
	v2 =	vnsel vm0, $0x0, v4;
	v0 =	vmul.f32 v1, v0  }
0xa6: {  	[tilespmem:s23+$0x5100] =	vst v5;
	v1 =	vmul.f32 v2, v3;
	v2 =	vnsel vm1, $0x0, v6  }
0xa7: {  	[tilespmem:s23+$0x3600] =	vst v0;
	v0 =	vmul.f32 v2, v3  }
0xa8: {  	[tilespmem:s23+$0x5110] =	vst v1  }
0xa9: {  	s31 =	simm.s32 $0x0;
	[tilespmem:s23+$0x3610] =	vst v0  }
0xaa: {  	[hbm4b:s8+s31] =	stream.linear.scatter [tilespmem:s16], [sflag:$0x3], $0xD80, $0x38;
	[tilespmem:$0x6C00] =	vst v63  }
0xab: {  	_ = 	snop  }
0xac: {  	[hbm4b:s9+s31] =	stream.linear.scatter [tilespmem:s17], [sflag:$0x3], $0xD80, $0x38;
	[tilespmem:$0x6C00] =	vst v63  }
0xad: {  	_ =	swait.ge [sflag:s18], $0xD80  }
0xae: {  	[sflag:s18] =	ssyncset.done $0x0  }
0xaf: {  	[sflag:s18] =	ssyncadd.s32 $0xFFFFF280  }
0xb0: {  	_ =	swait.ge [sflag:s18], $0xD80  }
0xb1: {  	[sflag:s18] =	ssyncset.done $0x0  }
0xb2: {  	s23 =	simm.s32 $0x0;
	[sflag:s18] =	ssyncadd.s32 $0xFFFFF280  }
0xb3: {  	v0 =	vld [tilespmem:s23+$0xD80]  }
0xb4: {  	v1 =	vld [tilespmem:s23+$0x2880]  }
0xb5: {  	v2 =	vld [tilespmem:s23+$0x2890]  }
0xb6: {  	v3 =	vld [tilespmem:s23+$0xD90];
	_ =	sdelay $0x2  }
0xb7: {  	v4 =	vmin.f32 v0, v1;
	v5 =	vmax.f32 v0, v1  }
0xb8: {  	v5 =	vsub.f32 v5, v4  }
0xb9: {  	v6 =	vmin.f32 v3, v2;
	v7 =	vmax.f32 v3, v2  }
0xba: {  	v7 =	vsub.f32 v7, v6;
	v5 =	vmul.f32 $6.250000000e-02, v5;
	_ =	sdelay $0x1  }
0xbb: {  	v7 =	vmul.f32 $6.250000000e-02, v7;
	v8 =	vmax.f32 v5, $9.999999930e-09  }
0xbc: {  	(erf) = vrcp.f32 v8  }
0xbd: {  	v8 =	vmax.f32 v7, $9.999999930e-09  }
0xbe: {  	(erf) = vrcp.f32 v8;
	_ =	sdelay $0x1  }
0xbf: {  	v5 =	vadd.f32 v5, v5;
	_ =	sdelay $0x1  }
0xc0: {  	v7 =	vadd.f32 v7, v7;
	v4 =	vsub.f32 v4, v5;
	_ =	sdelay $0x1  }
0xc1: {  	v5 =	vsub.f32 v6, v7;
	v0 =	vsub.f32 v0, v4  }
0xc2: {  	v4 =	vsub.f32 v1, v4;
	v6 =	vpop (erf)  }
0xc3: {  	v2 =	vsub.f32 v2, v5;
	v1 =	vmul.f32 v0, v6  }
0xc4: {  	v0 =	vsub.f32 v3, v5;
	v4 =	vmul.f32 v4, v6;
	v3 =	vpop (erf)  }
0xc5: {  	v7 =	vmul.f32 v2, v3;
	v5 =	vsub.f32 $2.000000000e+00, v1  }
0xc6: {  	v12 =	vmul.f32 v0, v3;
	v0 =	vsub.f32 $2.000000000e+00, v4  }
0xc7: {  	v14 =	vtrunc.f32 v1;
	v13 =	vsub.f32 $1.000000000e+00, v7;
	v3 =	vmax.f32 v5, $0.0e+00  }
0xc8: {  	v5 =	vsub.f32 $2.000000000e+00, v7;
	v6 =	vsub.f32 $2.000000000e+00, v12;
	v0 =	vmax.f32 v0, $0.0e+00  }
0xc9: {  	v8 =	vmul.f32 v3, v3;
	v9 =	vmul.f32 v0, v0;
	v13 =	vmax.f32 v13, $0.0e+00  }
0xca: {  	v5 =	vmax.f32 v5, $0.0e+00;
	v6 =	vmax.f32 v6, $0.0e+00;
	v17 =	vmul.f32 v13, v13  }
0xcb: {  	v2 =	vsub.f32 $1.000000000e+00, v1;
	v10 =	vmul.f32 v5, v5;
	v15 =	vmul.f32 v6, v6  }
0xcc: {  	v11 =	vsub.f32 $1.000000000e+00, v12;
	v0 =	vmul.f32 v9, v0;
	v9 =	vtrunc.f32 v12  }
0xcd: {  	v16 =	vsub.f32 $1.000000000e+00, v4;
	v3 =	vmul.f32 v8, v3;
	v5 =	vmul.f32 v10, v5  }
0xce: {  	v11 =	vmax.f32 v11, $0.0e+00;
	v10 =	vtrunc.f32 v7;
	v6 =	vmul.f32 v15, v6  }
0xcf: {  	v2 =	vmax.f32 v2, $0.0e+00;
	v15 =	vmul.f32 v11, v11;
	v18 =	vcvt.f32.s32 v10  }
0xd0: {  	v13 =	vmul.f32 v17, v13;
	v10 =	vmul.f32 v2, v2;
	v5 =	vadd.f32 v5, v6  }
0xd1: {  	v6 =	vmul.f32 v15, v11;
	v11 =	vmax.f32 v16, $0.0e+00;
	v15 =	vcvt.s32.f32 v18  }
0xd2: {  	v17 =	vtrunc.f32 v4;
	v16 =	vmul.f32 v11, v11  }
0xd3: {  	v2 =	vmul.f32 v10, v2;
	v5 =	vmul.f32 $1.666666720e-01, v5;
	v19 =	vsub.f32 v12, v15  }
0xd4: {  	v6 =	vadd.f32 v13, v6;
	v16 =	vmul.f32 v16, v11;
	v15 =	vsub.f32 v7, v15  }
0xd5: {  	vm0 =	vgt.s32 v18, $0x0;
	v5 =	vsub.f32 $2.000000000e+00, v5;
	v11 =	vand.u32 $0x7FFFFFFF, v19  }
0xd6: {  	v8 =	vmul.f32 $5.000000000e-01, v15;
	v10 =	vadd.f32 v16, v2;
	v16 =	vmul.f32 $5.000000000e-01, v6  }
0xd7: {  	v2 =	vcvt.f32.s32 v9;
	v6 =	vmul.f32 v15, v15;
	v9 =	vadd.f32 v0, v3  }
0xd8: {  	v3 =	vcvt.f32.s32 v17;
	v0 =	vcvt.f32.s32 v14;
	v13 =	vsub.f32 $2.000000000e+00, v11  }
0xd9: {  	v5 =	vadd.f32 v5, v16;
	v16 =	vcvt.s32.f32 v2;
	v8 =	vadd.f32 $-1.000000000e+00, v8  }
0xda: {  	v18 =	vcvt.s32.f32 v3;
	v14 =	vcvt.s32.f32 v0;
	v13 =	vmax.f32 v13, $0.0e+00  }
0xdb: {  	v15 =	vmul.f32 v13, v13;
	v5 =	vmax.f32 v5, $9.999999930e-09;
	v17 =	vsub.f32 v7, v16  }
0xdc: {  	v12 =	vsub.f32 v12, v16;
	v16 =	vmul.f32 $5.000000000e-01, v11;
	v20 =	vsub.f32 v1, v18  }
0xdd: {  	v7 =	vmul.f32 v15, v13;
	v15 =	vmul.f32 v19, v19;
	v13 =	vand.u32 $0x7FFFFFFF, v17  }
0xde: {  	s24 =	simm.s32 $0x80;
	v16 =	vadd.f32 $-1.000000000e+00, v16;
	v19 =	vmul.f32 $5.000000000e-01, v13;
	v21 =	vsub.f32 $2.000000000e+00, v13  }
.LBB2_4:
0xdf: {  	s25 =	sshra.s32 s24, $0x2;
	p0 =	sne.s32 s24, $0x3580;
	s24 =	sadd.s32 $0x80, s24;
	v18 =	vsub.f32 v4, v18;
	v4 =	vsub.f32 v4, v14;
	v17 =	vmul.f32 v17, v17  }
0xe0: {  	v23 =	vand.u32 $0x7FFFFFFF, v20;
	v20 =	vmul.f32 v20, v20;
	v22 =	vld [tilespmem:s25+$0x2890];
	v21 =	vmax.f32 v21, $0.0e+00  }
0xe1: {  	v19 =	vadd.f32 $-1.000000000e+00, v19;
	v24 =	vld [tilespmem:s25+$0xD80];
	v25 =	vmul.f32 v4, v4;
	v26 =	vmul.f32 v21, v21  }
0xe2: {  	v7 =	vmul.f32 $1.666666720e-01, v7;
	v28 =	vand.u32 $0x7FFFFFFF, v4;
	v4 =	vmul.f32 $5.000000000e-01, v12;
	v27 =	vld [tilespmem:s25+$0x2880]  }
0xe3: {  	v30 =	vmul.f32 $1.666666720e-01, v9;
	vm1 =	vlt.f32 v11, $1.000000000e+00;
	v9 =	vmul.f32 v16, v15;
	v29 =	vld [tilespmem:s25+$0xD90]  }
0xe4: {  	v11 =	vsub.f32 $2.000000000e+00, v28;
	v15 =	vmul.f32 v19, v17;
	v16 =	vmul.f32 v26, v21  }
0xe5: {  	v1 =	vsub.f32 v1, v14;
	v14 =	vmul.f32 $5.000000000e-01, v28;
	v4 =	vadd.f32 $-1.000000000e+00, v4  }
0xe6: {  	vm2 =	vlt.f32 v13, $1.000000000e+00;
	v17 =	vmul.f32 v18, v18;
	v16 =	vmul.f32 $1.666666720e-01, v16  }
0xe7: {  	v10 =	vmul.f32 $5.000000000e-01, v10;
	v13 =	vmin.f32 v24, v27;
	v19 =	vmax.f32 v24, v27  }
0xe8: {  	v18 =	vmul.f32 $5.000000000e-01, v18;
	v21 =	vmin.f32 v29, v22;
	v26 =	vmax.f32 v29, v22  }
0xe9: {  	v31 =	vmul.f32 $5.000000000e-01, v1;
	v12 =	vmul.f32 v12, v12;
	v26 =	vsub.f32 v26, v21  }
0xea: {  	v32 =	vmul.f32 $5.000000000e-01, v23;
	v11 =	vmax.f32 v11, $0.0e+00;
	v19 =	vsub.f32 v19, v13  }
0xeb: {  	v1 =	vmul.f32 v1, v1;
	v31 =	vadd.f32 $-1.000000000e+00, v31;
	v26 =	vmul.f32 $6.250000000e-02, v26  }
0xec: {  	v33 =	vsub.f32 $2.000000000e+00, v23;
	v30 =	vsub.f32 $2.000000000e+00, v30;
	v19 =	vmul.f32 $6.250000000e-02, v19  }
0xed: {  	v35 =	vmul.f32 v11, v11;
	v34 =	vadd.f32 v26, v26;
	v26 =	vmax.f32 v26, $9.999999930e-09  }
0xee: {  	v33 =	vmax.f32 v33, $0.0e+00;
	v18 =	vadd.f32 $-1.000000000e+00, v18;
	v36 =	vmax.f32 v19, $9.999999930e-09  }
0xef: {  	v11 =	vmul.f32 v35, v11;
	v21 =	vsub.f32 v21, v34;
	(erf) = vrcp.f32 v36  }
0xf0: {  	v4 =	vmul.f32 v4, v12;
	v12 =	vadd.f32 $6.666666860e-01, v15;
	v34 =	vmul.f32 v33, v33  }
0xf1: {  	v6 =	vmul.f32 v8, v6;
	v15 =	vsub.f32 v29, v21;
	(erf) = vrcp.f32 v26  }
0xf2: {  	v11 =	vmul.f32 $1.666666720e-01, v11;
	v8 =	vadd.f32 v19, v19;
	v19 =	vmul.f32 v34, v33  }
0xf3: {  	v21 =	vsub.f32 v22, v21;
	v22 =	vmul.f32 v31, v1;
	v26 =	vadd.f32 $6.666666860e-01, v4  }
0xf4: {  	v1 =	vmul.f32 v18, v17;
	v4 =	vadd.f32 $-1.000000000e+00, v14;
	v14 =	vmul.f32 $1.666666720e-01, v19  }
0xf5: {  	vm3 =	vlt.f32 v23, $1.000000000e+00;
	v12 =	vsel vm2, v12, v16;
	v8 =	vsub.f32 v13, v8  }
0xf6: {  	v13 =	vadd.f32 $6.666666860e-01, v1;
	v16 =	vmul.f32 v4, v25;
	v1 =	vadd.f32 v30, v10  }
0xf7: {  	v4 =	vsub.f32 v24, v8;
	v8 =	vsub.f32 v27, v8;
	(erf) = vrcp.f32 v5  }
0xf8: {  	v6 =	vadd.f32 $6.666666860e-01, v6;
	v10 =	vadd.f32 $-1.000000000e+00, v32;
	v17 =	vmax.f32 v1, $9.999999930e-09;
	v5 =	vpop (erf)  }
0xf9: {  	vm4 =	vlt.f32 v28, $1.000000000e+00;
	v1 =	vmul.f32 v4, v5;
	v4 =	vmul.f32 v8, v5  }
0xfa: {  	vm2 =	vgt.s32 v2, $0x0;
	v16 =	vadd.f32 $6.666666860e-01, v16;
	v8 =	vadd.f32 $6.666666860e-01, v22;
	v5 =	vpop (erf)  }
0xfb: {  	v10 =	vmul.f32 v10, v20;
	v2 =	vsub.f32 $2.000000000e+00, v1;
	v15 =	vmul.f32 v15, v5  }
0xfc: {  	v18 =	vsub.f32 $2.000000000e+00, v4;
	v19 =	vsub.f32 $1.000000000e+00, v1;
	v20 =	vmul.f32 v21, v5  }
0xfd: {  	v11 =	vsel vm4, v16, v11;
	v2 =	vmax.f32 v2, $0.0e+00;
	v5 =	vsub.f32 $2.000000000e+00, v15  }
0xfe: {  	v10 =	vadd.f32 $6.666666860e-01, v10;
	v16 =	vmax.f32 v18, $0.0e+00;
	v18 =	vsub.f32 $2.000000000e+00, v20  }
0xff: {  	vm4 =	vgt.s32 v3, $0x0;
	v8 =	vadd.f32 v11, v8;
	v21 =	vmul.f32 v2, v2  }
0x100: {  	v3 =	vmax.f32 v19, $0.0e+00;
	v11 =	vmax.f32 v18, $0.0e+00;
	(erf) = vrcp.f32 v17;
	v17 =	vpop (erf)  }
0x101: {  	v19 =	vsub.f32 $1.000000000e+00, v20;
	v18 =	vmul.f32 v16, v16;
	v22 =	vmul.f32 v11, v11  }
0x102: {  	v12 =	vadd.f32 v12, v26;
	v23 =	vtrunc.f32 v1;
	v24 =	vmul.f32 v3, v3  }
0x103: {  	v25 =	vsub.f32 $1.000000000e+00, v4;
	v5 =	vmax.f32 v5, $0.0e+00;
	v11 =	vmul.f32 v22, v11  }
0x104: {  	v10 =	vsel vm3, v10, v14;
	v26 =	vmul.f32 v5, v5;
	v22 =	vsub.f32 $1.000000000e+00, v15  }
0x105: {  	v10 =	vadd.f32 v10, v13;
	v14 =	vtrunc.f32 v20;
	v19 =	vmax.f32 v19, $0.0e+00  }
0x106: {  	v13 =	vmax.f32 v25, $0.0e+00;
	v5 =	vmul.f32 v26, v5;
	v22 =	vmax.f32 v22, $0.0e+00  }
0x107: {  	v10 =	vnsel vm4, $0x0, v10;
	v26 =	vmul.f32 v19, v19;
	v25 =	vmul.f32 v22, v22  }
0x108: {  	v9 =	vadd.f32 $6.666666860e-01, v9;
	v14 =	vcvt.f32.s32 v14;
	v5 =	vadd.f32 v11, v5  }
0x109: {  	vm3 =	vgt.s32 v0, $0x0;
	v19 =	vmul.f32 v26, v19;
	v11 =	vmul.f32 v25, v22;
	v0 =	vpop (erf)  }
0x10a: {  	v7 =	vsel vm1, v9, v7;
	v16 =	vmul.f32 v18, v16;
	v5 =	vmul.f32 $1.666666720e-01, v5  }
0x10b: {  	v6 =	vadd.f32 v7, v6;
	v9 =	vmul.f32 v13, v13;
	v18 =	vtrunc.f32 v15  }
0x10c: {  	v7 =	vcvt.s32.f32 v14;
	v5 =	vsub.f32 $2.000000000e+00, v5;
	v10 =	vmul.f32 v10, v0  }
0x10d: {  	v6 =	vnsel vm0, $0x0, v6;
	v8 =	vnsel vm3, $0x0, v8;
	v9 =	vmul.f32 v9, v13  }
0x10e: {  	v6 =	vmul.f32 v6, v17;
	v13 =	vsub.f32 v15, v7;
	v0 =	vmul.f32 v8, v0;
	[tilespmem:s23+$0x5E80] =	vst v10  }
0x10f: {  	v7 =	vsub.f32 v20, v7;
	v8 =	vadd.f32 v19, v11;
	v10 =	vnsel vm2, $0x0, v12  }
0x110: {  	v3 =	vmul.f32 v24, v3;
	v11 =	vand.u32 $0x7FFFFFFF, v13;
	[tilespmem:s23+$0x4380] =	vst v0;
	v0 =	vmul.f32 v10, v17  }
0x111: {  	v19 =	vsub.f32 $2.000000000e+00, v11;
	v12 =	vmul.f32 v21, v2;
	v17 =	vmul.f32 $5.000000000e-01, v7;
	[tilespmem:s23+$0x5E90] =	vst v6  }
0x112: {  	v21 =	vtrunc.f32 v4;
	v10 =	vadd.f32 v9, v3;
	v3 =	vmul.f32 $5.000000000e-01, v8;
	[tilespmem:s23+$0x4390] =	vst v0;
	s23 =	smov.u32 s25  }
0x113: {  	v2 =	vcvt.f32.s32 v18;
	v6 =	vmul.f32 v7, v7;
	v7 =	vmax.f32 v19, $0.0e+00  }
0x114: {  	v9 =	vadd.f32 v16, v12;
	v12 =	vmul.f32 v7, v7;
	v5 =	vadd.f32 v5, v3  }
0x115: {  	v16 =	vcvt.s32.f32 v2;
	v3 =	vcvt.f32.s32 v21;
	v8 =	vadd.f32 $-1.000000000e+00, v17  }
.Ltmp1:
0x116: {  	vm0 =	vgt.s32 v14, $0x0;
	v0 =	vcvt.f32.s32 v23;
	v5 =	vmax.f32 v5, $9.999999930e-09;
	(pc) =	sbr.rel @p0 .LBB2_4-.Ltmp1, $4  }
0x117: {  	v17 =	vsub.f32 v20, v16;
	v18 =	vcvt.s32.f32 v3;
	v7 =	vmul.f32 v12, v7  }
0x118: {  	v12 =	vsub.f32 v15, v16;
	v16 =	vmul.f32 $5.000000000e-01, v11;
	v15 =	vmul.f32 v13, v13  }
0x119: {  	v14 =	vcvt.s32.f32 v0;
	v13 =	vand.u32 $0x7FFFFFFF, v17;
	v20 =	vsub.f32 v1, v18  }
0x11a: {  	v19 =	vmul.f32 $5.000000000e-01, v13;
	v21 =	vsub.f32 $2.000000000e+00, v13;
	v16 =	vadd.f32 $-1.000000000e+00, v16  }
0x11b: {  	v18 =	vsub.f32 v4, v18;
	v34 =	vsub.f32 v4, v14;
	v17 =	vmul.f32 v17, v17  }
0x11c: {  	v22 =	vmul.f32 v20, v20;
	v35 =	vand.u32 $0x7FFFFFFF, v20;
	v25 =	vmul.f32 $5.000000000e-01, v12  }
0x11d: {  	v7 =	vmul.f32 $1.666666720e-01, v7;
	v9 =	vmul.f32 $1.666666720e-01, v9;
	vm1 =	vlt.f32 v11, $1.000000000e+00  }
0x11e: {  	v1 =	vsub.f32 v1, v14;
	v10 =	vmul.f32 $5.000000000e-01, v10;
	v43 =	vmul.f32 v12, v12  }
0x11f: {  	vm2 =	vlt.f32 v13, $1.000000000e+00;
	v6 =	vmul.f32 v8, v6;
	(erf) = vrcp.f32 v5  }
0x120: {  	vm13 =	vgt.s32 v3, $0x0;
	vm14 =	vgt.s32 v0, $0x0;
	vm15 =	vgt.s32 v2, $0x0  }
0x121: {  	v21 =	vmax.f32 v21, $0.0e+00;
	v19 =	vadd.f32 $-1.000000000e+00, v19;
	v15 =	vmul.f32 v16, v15  }
0x122: {  	v44 =	vsub.f32 $2.000000000e+00, v35;
	v26 =	vmul.f32 $5.000000000e-01, v35;
	vm3 =	vlt.f32 v35, $1.000000000e+00  }
0x123: {  	v23 =	vmul.f32 v34, v34;
	v24 =	vmul.f32 v21, v21;
	v4 =	vand.u32 $0x7FFFFFFF, v34  }
0x124: {  	v39 =	vadd.f32 $-1.000000000e+00, v25;
	v40 =	vmul.f32 v18, v18;
	v41 =	vmul.f32 $5.000000000e-01, v18  }
0x125: {  	v42 =	vmul.f32 $5.000000000e-01, v1;
	v9 =	vsub.f32 $2.000000000e+00, v9;
	v1 =	vmul.f32 v1, v1  }
0x126: {  	v36 =	vsub.f32 $2.000000000e+00, v4;
	v17 =	vmul.f32 v19, v17;
	v38 =	vmul.f32 $5.000000000e-01, v4  }
0x127: {  	v50 =	vadd.f32 $-1.000000000e+00, v26;
	v37 =	vmul.f32 v24, v21;
	v18 =	vadd.f32 $-1.000000000e+00, v42  }
0x128: {  	v24 =	vmax.f32 v44, $0.0e+00;
	v9 =	vadd.f32 v9, v10;
	v46 =	vadd.f32 $-1.000000000e+00, v41  }
0x129: {  	v12 =	vmul.f32 v39, v43;
	v11 =	vmax.f32 v36, $0.0e+00;
	v47 =	vmul.f32 v24, v24  }
0x12a: {  	v16 =	vmul.f32 $1.666666720e-01, v37;
	v45 =	vmul.f32 v11, v11;
	v48 =	vmax.f32 v9, $9.999999930e-09  }
0x12b: {  	vm12 =	vlt.f32 v4, $1.000000000e+00;
	v1 =	vmul.f32 v18, v1;
	(erf) = vrcp.f32 v48  }
0x12c: {  	v52 =	vadd.f32 $-1.000000000e+00, v38;
	v10 =	vmul.f32 v46, v40;
	v11 =	vmul.f32 v45, v11  }
0x12d: {  	v55 =	vadd.f32 $6.666666860e-01, v15;
	v9 =	vmul.f32 v50, v22;
	v51 =	vmul.f32 v47, v24  }
0x12e: {  	v53 =	vadd.f32 $6.666666860e-01, v17;
	v49 =	vmul.f32 $1.666666720e-01, v11;
	v11 =	vmul.f32 v52, v23  }
0x12f: {  	v12 =	vadd.f32 $6.666666860e-01, v12;
	v9 =	vadd.f32 $6.666666860e-01, v9;
	v5 =	vmul.f32 $1.666666720e-01, v51  }
0x130: {  	v13 =	vsel vm2, v53, v16;
	v10 =	vadd.f32 $6.666666860e-01, v10;
	v54 =	vadd.f32 $6.666666860e-01, v11  }
0x131: {  	v1 =	vadd.f32 $6.666666860e-01, v1;
	v59 =	vadd.f32 v13, v12;
	v5 =	vsel vm3, v9, v5  }
0x132: {  	v6 =	vadd.f32 $6.666666860e-01, v6;
	v5 =	vadd.f32 v5, v10;
	v4 =	vsel vm12, v54, v49  }
0x133: {  	v57 =	vsel vm1, v55, v7;
	v56 =	vpop (erf);
	v62 =	vnsel vm15, $0x0, v59;
	v1 =	vadd.f32 v4, v1  }
0x134: {  	v63 =	vmul.f32 v62, v56;
	v5 =	vnsel vm13, $0x0, v5;
	v4 =	vadd.f32 v57, v6;
	v58 =	vpop (erf)  }
0x135: {  	v5 =	vmul.f32 v5, v58;
	v1 =	vnsel vm14, $0x0, v1  }
0x136: {  	[tilespmem:s23+$0x4390] =	vst v63;
	v60 =	vnsel vm0, $0x0, v4;
	v0 =	vmul.f32 v1, v58  }
0x137: {  	v61 =	vmul.f32 v60, v56;
	[tilespmem:s23+$0x5E80] =	vst v5  }
0x138: {  	[tilespmem:s23+$0x4380] =	vst v0  }
0x139: {  	[tilespmem:s23+$0x5E90] =	vst v61  }
0x13a: {  	[hbm4b:s10+s2] =	stream.linear.scatter [tilespmem:s19], [sflag:$0x3], $0xD80, $0x38;
	[tilespmem:$0x6C00] =	vst v63  }
0x13b: {  	_ = 	snop  }
0x13c: {  	[hbm4b:s11+s2] =	stream.linear.scatter [tilespmem:s20], [sflag:$0x3], $0xD80, $0x38;
	[tilespmem:$0x6C00] =	vst v63  }
0x13d: {  	_ =	swait.ge [sflag:s21], $0xD80  }
0x13e: {  	[sflag:s21] =	ssyncset.done $0x0  }
0x13f: {  	[sflag:s21] =	ssyncadd.s32 $0xFFFFF280  }
0x140: {  	_ =	swait.ge [sflag:s21], $0xD80  }
0x141: {  	[sflag:s21] =	ssyncset.done $0x0  }
0x142: {  	s22 =	sadd.s32 $0x1, s22;
	[sflag:s21] =	ssyncadd.s32 $0xFFFFF280  }
0x143: {  	p0 =	sne.s32 s22, s12;
	_ =	swait.ge [sflag:s21], $0xD80  }
.Ltmp2:
0x144: {  	[sflag:s21] =	ssyncset.done $0x0;
	(pc) =	sbr.rel @p0 .LBB2_1-.Ltmp2, $4  }
0x145: {  	[sflag:s21] =	ssyncadd.s32 $0xFFFFF280  }
0x146: {  	_ =	swait.ge [sflag:s21], $0xD80  }
0x147: {  	[sflag:s21] =	ssyncset.done $0x0  }
0x148: {  	[sflag:s21] =	ssyncadd.s32 $0xFFFFF280  }
0x149: {  	_ =	sfence.sel $0x180000  }
0x14a: {  	[bflag:$0x0] =	sbarrier.arrive $0xFFFF  }
0x14b: {  	p0 =	sne.s32 s0, $0x0;
	_ =	strace $0x90000047  }
0x14c: {  	s0 =	sadd.s32 @!p0 $0x100000, s1;
	[bflag:$0x2] =	sbarrier.arrive $0xFFFF  }
0x14d: {  	[sflag:s0] =	ssyncadd.tile.s32 @!p0 $0x1;
	_ =	shalt  }
.Lfunc_end2:
_tile_overlayer_lowered:
.L_overlay_start_2:
0x14e: {  	(tag) =	ssettag $0x2  }
0x14f: {  	s0 =	rddreg [dreg:$0x0];
	s2 =	stileid.u32  }
0x150: {  	s1 =	rddreg [dreg:$0x1];
	p0 =	sne.s32 s2, $0x0  }
0x151: {  	s3 =	rddreg [dreg:$0x2];
	[bflag:$0x3] =	sbarrier.arrive $0xFFFF;
	s2 =	simm.s32 @!p0 $0x1C04  }
0x152: {  	[timem:s3], [sflag:s2] =	dma.local @!p0 [hbm:s0], s1  }
0x153: {  	s0 =	simm.s32 @!p0 $0x4  }
0x154: {  	_ =	swait.ge @!p0 [sflag:s0], s1  }
0x155: {  	s1 =	ssub.s32 @!p0 $0x0, s1;
	[sflag:s0] =	ssyncset.done @!p0 $0x0  }
0x156: {  	[sflag:s0] =	ssyncadd.s32 @!p0 s1  }
0x157: {  	[bflag:$0x3] =	sbarrier.arrive $0xFFFF  }
0x158: {  	_ =	shalt  }

</sc_bundles>
